<compile_context>
chip_gen: v7x
topology: tpu7x:2x2x1
jax: 0.10.2.dev20260603
libtpu: 0.0.44.dev20260713+nightly
codegen_flags: <defaults>
</compile_context>

<pallas_src>
import functools

import jax
import jax.numpy as jnp
from jax import lax
from jax.experimental import pallas as pl
from jax.experimental.pallas import tpu as pltpu
from jax.experimental.pallas import tpu_sc as plsc

N_TOK = 32768
N_BATCH = 16
IN_DIM = 4
HIDDEN = 64
FEAT_DIM = 16

MLP_GRID = 2
MLP_TILE = N_TOK // MLP_GRID


def _mlp_body(xt_ref, w1_ref, b1_ref, w2t_ref, b2_ref, ht_ref):
    xt = xt_ref[...]
    h1t = lax.dot_general(w1_ref[...], xt, (((0,), (0,)), ((), ())),
                          preferred_element_type=jnp.float32)
    h1t = jnp.maximum(h1t + jnp.transpose(b1_ref[...]), 0.0)
    ht_ref[...] = lax.dot_general(
        w2t_ref[...], h1t, (((1,), (0,)), ((), ())),
        preferred_element_type=jnp.float32) + jnp.transpose(b2_ref[...])


def _mlp(xt, W1, b1r, W2t, b2r):
    return pl.pallas_call(
        _mlp_body,
        grid=(MLP_GRID,),
        in_specs=[
            pl.BlockSpec((IN_DIM, MLP_TILE), lambda i: (0, i)),
            pl.BlockSpec((IN_DIM, HIDDEN), lambda i: (0, 0)),
            pl.BlockSpec((1, HIDDEN), lambda i: (0, 0)),
            pl.BlockSpec((FEAT_DIM, HIDDEN), lambda i: (0, 0)),
            pl.BlockSpec((1, FEAT_DIM), lambda i: (0, 0)),
        ],
        out_specs=pl.BlockSpec((FEAT_DIM, MLP_TILE), lambda i: (0, i)),
        out_shape=jax.ShapeDtypeStruct((FEAT_DIM, N_TOK), jnp.float32),
    )(xt, W1, b1r, W2t, b2r)


NC = 2
NS = 16
NW = NC * NS
CNK = N_TOK // NW
L = 16
HALF_W = 8 * N_TOK


def _segpart_body(h_hbm, ids_hbm, pmax_hbm, pcnt_hbm, hv, idsv, cntv, outv,
                  sem):
    c = lax.axis_index("c")
    s = lax.axis_index("s")
    wid = s * NC + c
    base = wid * CNK

    descs = [
        pltpu.async_copy(
            h_hbm.at[pl.ds(half * HALF_W + 8192 * wid, 8192)],
            hv.at[pl.ds(half * 8192, 8192)], sem)
        for half in range(2)
    ]
    pltpu.sync_copy(ids_hbm.at[pl.ds(base, CNK)], idsv)

    cntv[...] = jnp.zeros((L,), jnp.float32)
    ones = jnp.ones((L,), jnp.float32)

    def hbody(g, _):
        plsc.addupdate_scatter(cntv, [idsv[pl.ds(g * L, L)]], ones)
        return 0

    lax.fori_loop(0, CNK // L, hbody, 0)
    cnt = cntv[...]
    pref = plsc.cumsum(cnt).astype(jnp.int32)

    for d in descs:
        d.wait()

    lane = lax.iota(jnp.int32, L)
    neg_inf = jnp.full((L,), -jnp.inf, jnp.float32)
    last_lane = lane == (L - 1)
    f_off = [(f // 8) * 8192 + (f % 8) * 128 for f in range(FEAT_DIM)]

    def init_body(b, _):
        outv[pl.ds(b * L, L)] = neg_inf
        return 0

    lax.fori_loop(0, N_BATCH, init_body, 0)

    def seg_body(b, lo):
        hi = jnp.max(jnp.where(lane == b, pref, 0))

        @pl.when(hi > lo)
        def _seg():
            glo = lo // L

            def gbody(i, accs):
                for j in range(2):
                    g = glo + i * 2 + j
                    pos = lane + g * L
                    m = (pos >= lo) & (pos < hi)
                    col = (g // 8) * 1024 + (g % 8) * L
                    accs = tuple(
                        jnp.maximum(
                            accs[f],
                            jnp.where(m, hv[pl.ds(f_off[f] + col, L)],
                                      neg_inf))
                        for f in range(FEAT_DIM))
                return accs

            ngrp = (hi + L - 1) // L - glo
            accs = lax.fori_loop(0, (ngrp + 1) // 2, gbody,
                                 (neg_inf,) * FEAT_DIM)

            pos0 = (b // 8) * 128 + (b % 8) * L
            for f in range(FEAT_DIM):
                cm = plsc.cummax(accs[f])
                plsc.store_scatter(outv, [jnp.full((L,), pos0 + f,
                                                   jnp.int32)],
                                   cm, mask=last_lane)

        return hi

    lax.fori_loop(0, N_BATCH, seg_body, jnp.int32(0))

    d1 = pltpu.async_copy(outv.at[pl.ds(0, 128)],
                          pmax_hbm.at[pl.ds(wid * 128, 128)], sem)
    d2 = pltpu.async_copy(outv.at[pl.ds(128, 128)],
                          pmax_hbm.at[pl.ds(NW * 128 + wid * 128, 128)], sem)
    d3 = pltpu.async_copy(cntv, pcnt_hbm.at[pl.ds(wid * N_BATCH, N_BATCH)],
                          sem)
    d1.wait()
    d2.wait()
    d3.wait()


_segpart = pl.kernel(
    _segpart_body,
    out_type=(
        jax.ShapeDtypeStruct((NW * N_BATCH * FEAT_DIM,), jnp.float32),
        jax.ShapeDtypeStruct((NW * N_BATCH,), jnp.float32),
    ),
    mesh=plsc.VectorSubcoreMesh(
        core_axis_name="c", subcore_axis_name="s",
        num_cores=NC, num_subcores=NS),
    compiler_params=pltpu.CompilerParams(needs_layout_passes=False),
    scratch_types=[
        pltpu.VMEM((CNK * FEAT_DIM,), jnp.float32),
        pltpu.VMEM((CNK,), jnp.int32),
        pltpu.VMEM((L,), jnp.float32),
        pltpu.VMEM((N_BATCH * FEAT_DIM,), jnp.float32),
        pltpu.SemaphoreType.DMA,
    ],
)


def _finalize_body(pmax_ref, pcnt_ref, out_ref):
    allm = pmax_ref[...]
    m0 = jnp.max(allm[:NW, :], axis=0, keepdims=True)
    m1 = jnp.max(allm[NW:, :], axis=0, keepdims=True)
    rows = [m0[:, (b % 8) * L:(b % 8) * L + L] for b in range(8)]
    rows += [m1[:, (b % 8) * L:(b % 8) * L + L] for b in range(8, 16)]
    m = jnp.concatenate(rows, axis=0)

    c = jnp.sum(pcnt_ref[...], axis=0, keepdims=True)
    c = c[:, :64] + c[:, 64:]
    c = c[:, :32] + c[:, 32:]
    c = c[:, :16] + c[:, 16:]
    padded = jnp.transpose(c) < jnp.max(c)
    m = jnp.where(padded, jnp.maximum(m, 0.0), m)
    norm = jnp.sqrt(jnp.sum(m * m, axis=1, keepdims=True))
    out_ref[...] = m / jnp.maximum(norm, 1e-12)


def _finalize(pmax, pcnt):
    return pl.pallas_call(
        _finalize_body,
        out_shape=jax.ShapeDtypeStruct((N_BATCH, FEAT_DIM), jnp.float32),
    )(pmax, pcnt)


@jax.jit
def kernel(feats, batch_ids, W1, b1, W2, b2):
    ht = _mlp(feats.T, W1, b1.reshape(1, HIDDEN), W2.T,
              b2.reshape(1, FEAT_DIM))
    hperm = ht.reshape(2, 8, 256, 128).transpose(0, 2, 1, 3).reshape(-1)
    pmax, pcnt = _segpart(hperm, batch_ids)
    return _finalize(pmax.reshape(2 * NW, 128), pcnt.reshape(NW // 8, 128))

# --- scband reference (transcript-rebuilt; emitter-appended) ---
"""Pipeline reference for scband-spvmac-35442070127245 (READ-ONLY COPY).

The authoritative reference and input builder live on the scoring server;
editing this copy changes nothing except your own understanding.
"""

import jax, jax.numpy as jnp
import numpy as np

N_TOK = 32768
N_BATCH = 16
IN_DIM = 4
HIDDEN = 64
FEAT_DIM = 16


def setup_inputs(seed: int = 0) -> dict:
    key = jax.random.key(seed)
    k1, k2, k3, k4 = jax.random.split(key, 4)
    feats = jax.random.normal(k1, (N_TOK, IN_DIM), dtype=jnp.float32)
    batch_ids = jnp.sort(jax.random.randint(k2, (N_TOK,), 0, N_BATCH, dtype=jnp.int32))
    # Pointwise-MLP stand-in for the spvcnn sparse-conv backbone (external dep):
    W1 = (jax.random.normal(k3, (IN_DIM, HIDDEN), dtype=jnp.float32) * 0.1)
    b1 = jnp.zeros((HIDDEN,), dtype=jnp.float32)
    W2 = (jax.random.normal(k4, (HIDDEN, FEAT_DIM), dtype=jnp.float32) * 0.1)
    b2 = jnp.zeros((FEAT_DIM,), dtype=jnp.float32)
    return {"feats": feats, "batch_ids": batch_ids, "W1": W1, "b1": b1, "W2": W2, "b2": b2}


def reference(feats, batch_ids, W1, b1, W2, b2):
    # backbone (per-point feature extraction, spvcnn approximated as pointwise MLP)
    h = jnp.maximum(feats @ W1 + b1, 0.0)
    h = h @ W2 + b2  # [N_TOK, FEAT_DIM]
    # torch.unique(x.C[:, -1], return_counts=True) -> per-batch counts
    counts = jnp.bincount(batch_ids, length=N_BATCH)  # [N_BATCH]
    # split + pad_sequence(pad=0) + permute(1,2,0) + MAC (max over time, L2 normalize)
    seg_max = jax.ops.segment_max(h, batch_ids, num_segments=N_BATCH)  # [N_BATCH, FEAT_DIM]
    max_count = jnp.max(counts)
    # sequences shorter than max get zero padding, which participates in the max
    padded = (counts < max_count)[:, None]
    seg_max = jnp.where(padded, jnp.maximum(seg_max, 0.0), seg_max)
    # F.normalize(x, p=2, dim=-1)
    norm = jnp.sqrt(jnp.sum(seg_max * seg_max, axis=-1, keepdims=True))
    out = seg_max / jnp.maximum(norm, 1e-12)
    return out

if __name__ == "__main__":
    import jax
    _d = setup_inputs()
    print(jax.jit(kernel)(*tuple(_d.values())))

</pallas_src>

<mosaic_0001>
#map = affine_map<(d0, d1) -> (0)>
module attributes {stable_mosaic.version = 14 : i64} {
  func.func @_segpart_body(%arg0: i32, %arg1: i32, %arg2: memref<524288xf32, #tpu.memory_space<hbm>>, %arg3: memref<32768xi32, #tpu.memory_space<hbm>>, %arg4: memref<8192xf32, #tpu.memory_space<hbm>>, %arg5: memref<512xf32, #tpu.memory_space<hbm>>, %arg6: memref<16384xf32, #tpu.memory_space<vmem>>, %arg7: memref<1024xi32, #tpu.memory_space<vmem>>, %arg8: memref<16xf32, #tpu.memory_space<vmem>>, %arg9: memref<256xf32, #tpu.memory_space<vmem>>, %arg10: memref<!tpu.dma_semaphore, #tpu.memory_space<semaphore_mem>>) attributes {dimension_semantics = [#tpu.dimension_semantics<core_parallel>, #tpu.dimension_semantics<subcore_parallel>], iteration_bounds = array<i64: 2, 16>, scalar_prefetch = 0 : i64, scratch_operands = 5 : i64, tpu.core_type = #tpu.core_type<sc_vector_subcore>, window_params = [{transform_indices = #map}, {transform_indices = #map}, {transform_indices = #map}, {transform_indices = #map}]} {
    %mul3A = arith.constant 2 : i32
    %mul3A_0 = arith.muli %arg1, %mul3A : i32
    %add3A = arith.addi %mul3A_0, %arg0 : i32
    %mul3A_1 = arith.constant 1024 : i32
    %mul3A_2 = arith.muli %add3A, %mul3A_1 : i32
    %mul3A_3 = arith.constant 8192 : i32
    %mul3A_4 = arith.muli %mul3A_3, %add3A : i32
    %add3A_5 = arith.constant 0 : i32
    %add3A_6 = arith.addi %add3A_5, %mul3A_4 : i32
    %dma_start3A = arith.constant 0 : i32
    %dma_start3A_7 = tpu.memref_slice %arg6[%dma_start3A] : memref<16384xf32, #tpu.memory_space<vmem>> -> memref<8192xf32, #tpu.memory_space<vmem>>
    %dma_start3A_8 = tpu.memref_slice %arg2[%add3A_6] : memref<524288xf32, #tpu.memory_space<hbm>> -> memref<8192xf32, #tpu.memory_space<hbm>>
    %dma_start3A_9 = arith.constant 0 : i32
    %dma_start3A_10 = tpu.memref_slice %arg6[%dma_start3A_9] : memref<16384xf32, #tpu.memory_space<vmem>> -> memref<8192xf32, #tpu.memory_space<vmem>>
    %dma_start3A_11 = tpu.memref_slice %arg2[%add3A_6] : memref<524288xf32, #tpu.memory_space<hbm>> -> memref<8192xf32, #tpu.memory_space<hbm>>
    tpu.enqueue_dma source(%dma_start3A_11 : memref<8192xf32, #tpu.memory_space<hbm>>) target(%dma_start3A_10 : memref<8192xf32, #tpu.memory_space<vmem>>) target_semaphore(%arg10 : memref<!tpu.dma_semaphore, #tpu.memory_space<semaphore_mem>>)
    %mul3A_12 = arith.constant 8192 : i32
    %mul3A_13 = arith.muli %mul3A_12, %add3A : i32
    %add3A_14 = arith.constant 262144 : i32
    %add3A_15 = arith.addi %add3A_14, %mul3A_13 : i32
    %dma_start3A_16 = arith.constant 8192 : i32
    %dma_start3A_17 = tpu.memref_slice %arg6[%dma_start3A_16] : memref<16384xf32, #tpu.memory_space<vmem>> -> memref<8192xf32, #tpu.memory_space<vmem>>
    %dma_start3A_18 = tpu.memref_slice %arg2[%add3A_15] : memref<524288xf32, #tpu.memory_space<hbm>> -> memref<8192xf32, #tpu.memory_space<hbm>>
    %dma_start3A_19 = arith.constant 8192 : i32
    %dma_start3A_20 = tpu.memref_slice %arg6[%dma_start3A_19] : memref<16384xf32, #tpu.memory_space<vmem>> -> memref<8192xf32, #tpu.memory_space<vmem>>
    %dma_start3A_21 = tpu.memref_slice %arg2[%add3A_15] : memref<524288xf32, #tpu.memory_space<hbm>> -> memref<8192xf32, #tpu.memory_space<hbm>>
    tpu.enqueue_dma source(%dma_start3A_21 : memref<8192xf32, #tpu.memory_space<hbm>>) target(%dma_start3A_20 : memref<8192xf32, #tpu.memory_space<vmem>>) target_semaphore(%arg10 : memref<!tpu.dma_semaphore, #tpu.memory_space<semaphore_mem>>)
    "tpu.region"() ({
      %run_scoped3A = tpu.sem_alloc : memref<!tpu.dma_semaphore, #tpu.memory_space<semaphore_mem>>
      %dma_start3A_100 = tpu.memref_slice %arg3[%mul3A_2] : memref<32768xi32, #tpu.memory_space<hbm>> -> memref<1024xi32, #tpu.memory_space<hbm>>
      %dma_start3A_101 = tpu.memref_slice %arg3[%mul3A_2] : memref<32768xi32, #tpu.memory_space<hbm>> -> memref<1024xi32, #tpu.memory_space<hbm>>
      tpu.enqueue_dma source(%dma_start3A_101 : memref<1024xi32, #tpu.memory_space<hbm>>) target(%arg7 : memref<1024xi32, #tpu.memory_space<vmem>>) target_semaphore(%run_scoped3A : memref<!tpu.dma_semaphore, #tpu.memory_space<semaphore_mem>>)
      %dma_wait3A_102 = tpu.memref_slice %arg3[%mul3A_2] : memref<32768xi32, #tpu.memory_space<hbm>> -> memref<1024xi32, #tpu.memory_space<hbm>>
      %dma_wait3A_103 = tpu.memref_slice %arg3[%mul3A_2] : memref<32768xi32, #tpu.memory_space<hbm>> -> memref<1024xi32, #tpu.memory_space<hbm>>
      tpu.wait_dma2 semaphore(%run_scoped3A : memref<!tpu.dma_semaphore, #tpu.memory_space<semaphore_mem>>) src(%dma_wait3A_103 : memref<1024xi32, #tpu.memory_space<hbm>>) dst(%arg7 : memref<1024xi32, #tpu.memory_space<vmem>>)
      tpu.yield
    }) : () -> ()
    %broadcast_in_dim3A = arith.constant 0.000000e+00 : f32
    %broadcast_in_dim3A_22 = vector.broadcast %broadcast_in_dim3A : f32 to vector<16xf32>
    %swap3A = arith.constant 0 : index
    %swap3A_23 = tpu.vector_load %arg8[%swap3A] {strides = array<i32>} : memref<16xf32, #tpu.memory_space<vmem>>, vector<16xf32>,
    tpu.vector_store %arg8[%swap3A], %broadcast_in_dim3A_22 {strides = array<i32>} : memref<16xf32, #tpu.memory_space<vmem>>, vector<16xf32>,
    %broadcast_in_dim3A_24 = arith.constant 1.000000e+00 : f32
    %broadcast_in_dim3A_25 = vector.broadcast %broadcast_in_dim3A_24 : f32 to vector<16xf32>
    %scan3A = arith.constant 0 : i32
    %scan3A_26 = arith.constant 0 : i32
    %scan3A_27 = arith.constant 64 : i32
    %scan3A_28 = arith.addi %scan3A_26, %scan3A_27 : i32
    %scan3A_29 = arith.constant 1 : i32
    %scan3A_30 = scf.for %scan3A_100 = %scan3A_26 to %scan3A_28 step %scan3A_29 iter_args(%scan3A_101 = %scan3A) -> (i32)  : i32 {
      %mul3A_102 = arith.constant 16 : i32
      %mul3A_103 = arith.muli %scan3A_100, %mul3A_102 : i32
      %get3A_104 = arith.index_cast %mul3A_103 : i32 to index
      %get3A_105 = tpu.vector_load %arg7[%get3A_104] {strides = array<i32>} : memref<1024xi32, #tpu.memory_space<vmem>>, vector<16xi32>,
      tpu.vector_store_idx %arg8[%get3A_105], %broadcast_in_dim3A_25 {add = true} : memref<16xf32, #tpu.memory_space<vmem>>[vector<16xi32>], vector<16xf32>,
      %scan3A_106 = arith.constant 0 : i32
      scf.yield %scan3A_106 : i32
    }
    %scan3A_31 = arith.constant 64 : i32
    %get3A = arith.constant 0 : index
    %get3A_32 = tpu.vector_load %arg8[%get3A] {strides = array<i32>} : memref<16xf32, #tpu.memory_space<vmem>>, vector<16xf32>,
    %broadcast_in_dim3A_33 = arith.constant true
    %broadcast_in_dim3A_34 = vector.broadcast %broadcast_in_dim3A_33 : i1 to vector<16xi1>
    %masked_cumsum3A = tpu.scan <sum>, %get3A_32 masked %broadcast_in_dim3A_34 : vector<16xf32>, vector<16xi1> -> vector<16xf32>
    %convert_element_type3A = arith.fptosi %masked_cumsum3A : vector<16xf32> to vector<16xi32>
    %dma_wait3A = arith.constant 0 : i32
    %dma_wait3A_35 = tpu.memref_slice %arg6[%dma_wait3A] : memref<16384xf32, #tpu.memory_space<vmem>> -> memref<8192xf32, #tpu.memory_space<vmem>>
    %dma_wait3A_36 = tpu.memref_slice %arg2[%add3A_6] : memref<524288xf32, #tpu.memory_space<hbm>> -> memref<8192xf32, #tpu.memory_space<hbm>>
    %dma_wait3A_37 = arith.constant 0 : i32
    %dma_wait3A_38 = tpu.memref_slice %arg6[%dma_wait3A_37] : memref<16384xf32, #tpu.memory_space<vmem>> -> memref<8192xf32, #tpu.memory_space<vmem>>
    %dma_wait3A_39 = tpu.memref_slice %arg2[%add3A_6] : memref<524288xf32, #tpu.memory_space<hbm>> -> memref<8192xf32, #tpu.memory_space<hbm>>
    tpu.wait_dma2 semaphore(%arg10 : memref<!tpu.dma_semaphore, #tpu.memory_space<semaphore_mem>>) src(%dma_wait3A_39 : memref<8192xf32, #tpu.memory_space<hbm>>) dst(%dma_wait3A_38 : memref<8192xf32, #tpu.memory_space<vmem>>)
    %dma_wait3A_40 = arith.constant 8192 : i32
    %dma_wait3A_41 = tpu.memref_slice %arg6[%dma_wait3A_40] : memref<16384xf32, #tpu.memory_space<vmem>> -> memref<8192xf32, #tpu.memory_space<vmem>>
    %dma_wait3A_42 = tpu.memref_slice %arg2[%add3A_15] : memref<524288xf32, #tpu.memory_space<hbm>> -> memref<8192xf32, #tpu.memory_space<hbm>>
    %dma_wait3A_43 = arith.constant 8192 : i32
    %dma_wait3A_44 = tpu.memref_slice %arg6[%dma_wait3A_43] : memref<16384xf32, #tpu.memory_space<vmem>> -> memref<8192xf32, #tpu.memory_space<vmem>>
    %dma_wait3A_45 = tpu.memref_slice %arg2[%add3A_15] : memref<524288xf32, #tpu.memory_space<hbm>> -> memref<8192xf32, #tpu.memory_space<hbm>>
    tpu.wait_dma2 semaphore(%arg10 : memref<!tpu.dma_semaphore, #tpu.memory_space<semaphore_mem>>) src(%dma_wait3A_45 : memref<8192xf32, #tpu.memory_space<hbm>>) dst(%dma_wait3A_44 : memref<8192xf32, #tpu.memory_space<vmem>>)
    %iota3A = tpu.iota {dimensions = array<i32: 0>} : vector<16xi32>
    %broadcast_in_dim3A_46 = arith.constant 0xFF800000 : f32
    %broadcast_in_dim3A_47 = vector.broadcast %broadcast_in_dim3A_46 : f32 to vector<16xf32>
    %eq3A = arith.constant 15 : i32
    %eq3A_48 = vector.broadcast %eq3A : i32 to vector<16xi32>
    %eq3A_49 = arith.cmpi eq, %iota3A, %eq3A_48 : vector<16xi32>
    %scan3A_50 = arith.constant 0 : i32
    %scan3A_51 = arith.constant 0 : i32
    %scan3A_52 = arith.constant 16 : i32
    %scan3A_53 = arith.addi %scan3A_51, %scan3A_52 : i32
    %scan3A_54 = arith.constant 1 : i32
    %scan3A_55 = scf.for %scan3A_100 = %scan3A_51 to %scan3A_53 step %scan3A_54 iter_args(%scan3A_101 = %scan3A_50) -> (i32)  : i32 {
      %mul3A_102 = arith.constant 16 : i32
      %mul3A_103 = arith.muli %scan3A_100, %mul3A_102 : i32
      %swap3A_104 = arith.index_cast %mul3A_103 : i32 to index
      %swap3A_105 = tpu.vector_load %arg9[%swap3A_104] {strides = array<i32>} : memref<256xf32, #tpu.memory_space<vmem>>, vector<16xf32>,
      tpu.vector_store %arg9[%swap3A_104], %broadcast_in_dim3A_47 {strides = array<i32>} : memref<256xf32, #tpu.memory_space<vmem>>, vector<16xf32>,
      %scan3A_106 = arith.constant 0 : i32
      scf.yield %scan3A_106 : i32
    }
    %scan3A_56 = arith.constant 16 : i32
    %scan3A_57 = arith.constant 0 : i32
    %scan3A_58 = arith.constant 0 : i32
    %scan3A_59 = arith.constant 16 : i32
    %scan3A_60 = arith.addi %scan3A_58, %scan3A_59 : i32
    %scan3A_61 = arith.constant 1 : i32
    %scan3A_62 = scf.for %scan3A_100 = %scan3A_58 to %scan3A_60 step %scan3A_61 iter_args(%scan3A_101 = %scan3A_57) -> (i32)  : i32 {
      %eq3A_102 = vector.broadcast %scan3A_100 : i32 to vector<16xi32>
      %eq3A_103 = arith.cmpi eq, %iota3A, %eq3A_102 : vector<16xi32>
      %jit3A = arith.constant 0 : i32
      %broadcast_in_dim3A_104 = vector.broadcast %jit3A : i32 to vector<16xi32>
      %select_n3A = arith.select %eq3A_103, %convert_element_type3A, %broadcast_in_dim3A_104 : vector<16xi1>, vector<16xi32>
      %reduce_max3A = arith.constant true
      %reduce_max3A_105 = vector.broadcast %reduce_max3A : i1 to vector<16xi1>
      %reduce_max3A_106 = arith.constant -2147483648 : i32
      %reduce_max3A_107 = vector.broadcast %reduce_max3A_106 : i32 to vector<16xi32>
      %reduce_max3A_108 = arith.xori %select_n3A, %reduce_max3A_107 : vector<16xi32>
      %reduce_max3A_109 = tpu.scan <max>, %reduce_max3A_108 masked %reduce_max3A_105 : vector<16xi32>, vector<16xi1> -> vector<16xi32>
      %reduce_max3A_110 = arith.xori %reduce_max3A_109, %reduce_max3A_107 : vector<16xi32>
      %reduce_max3A_111 = vector.extract %reduce_max3A_110[15] : i32 from vector<16xi32>
      %gt3A = arith.cmpi sgt, %reduce_max3A_111, %scan3A_101 : i32
      %convert_element_type3A_112 = arith.extui %gt3A : i1 to i32
      %cond3A = arith.constant 0 : i32
      %cond3A_113 = arith.cmpi ne, %convert_element_type3A_112, %cond3A : i32
      scf.if %cond3A_113 {
        %jit3A_114 = arith.constant 16 : i32
        %div3A = arith.divsi %scan3A_101, %jit3A_114 : i32
        %sign3A = arith.constant 0 : i32
        %sign3A_115 = arith.cmpi sgt, %scan3A_101, %sign3A : i32
        %sign3A_116 = arith.extui %sign3A_115 : i1 to i32
        %sign3A_117 = arith.constant 0 : i32
        %sign3A_118 = arith.cmpi slt, %scan3A_101, %sign3A_117 : i32
        %sign3A_119 = arith.extui %sign3A_118 : i1 to i32
        %sign3A_120 = arith.subi %sign3A_116, %sign3A_119 : i32
        %sign3A_121 = arith.constant 0 : i32
        %sign3A_122 = arith.cmpi sgt, %jit3A_114, %sign3A_121 : i32
        %sign3A_123 = arith.extui %sign3A_122 : i1 to i32
        %sign3A_124 = arith.constant 0 : i32
        %sign3A_125 = arith.cmpi slt, %jit3A_114, %sign3A_124 : i32
        %sign3A_126 = arith.extui %sign3A_125 : i1 to i32
        %sign3A_127 = arith.subi %sign3A_123, %sign3A_126 : i32
        %ne3A = arith.cmpi ne, %sign3A_120, %sign3A_127 : i32
        %rem3A = arith.remsi %scan3A_101, %jit3A_114 : i32
        %ne3A_128 = arith.constant 0 : i32
        %ne3A_129 = arith.cmpi ne, %rem3A, %ne3A_128 : i32
        %and3A = arith.andi %ne3A, %ne3A_129 : i1
        %sub3A = arith.constant 1 : i32
        %sub3A_130 = arith.subi %div3A, %sub3A : i32
        %select_n3A_131 = arith.select %and3A, %sub3A_130, %div3A : i32
        %add3A_132 = arith.constant 16 : i32
        %add3A_133 = arith.addi %reduce_max3A_111, %add3A_132 : i32
        %sub3A_134 = arith.constant 1 : i32
        %sub3A_135 = arith.subi %add3A_133, %sub3A_134 : i32
        %jit3A_136 = arith.constant 16 : i32
        %div3A_137 = arith.divsi %sub3A_135, %jit3A_136 : i32
        %sign3A_138 = arith.constant 0 : i32
        %sign3A_139 = arith.cmpi sgt, %sub3A_135, %sign3A_138 : i32
        %sign3A_140 = arith.extui %sign3A_139 : i1 to i32
        %sign3A_141 = arith.constant 0 : i32
        %sign3A_142 = arith.cmpi slt, %sub3A_135, %sign3A_141 : i32
        %sign3A_143 = arith.extui %sign3A_142 : i1 to i32
        %sign3A_144 = arith.subi %sign3A_140, %sign3A_143 : i32
        %sign3A_145 = arith.constant 0 : i32
        %sign3A_146 = arith.cmpi sgt, %jit3A_136, %sign3A_145 : i32
        %sign3A_147 = arith.extui %sign3A_146 : i1 to i32
        %sign3A_148 = arith.constant 0 : i32
        %sign3A_149 = arith.cmpi slt, %jit3A_136, %sign3A_148 : i32
        %sign3A_150 = arith.extui %sign3A_149 : i1 to i32
        %sign3A_151 = arith.subi %sign3A_147, %sign3A_150 : i32
        %ne3A_152 = arith.cmpi ne, %sign3A_144, %sign3A_151 : i32
        %rem3A_153 = arith.remsi %sub3A_135, %jit3A_136 : i32
        %ne3A_154 = arith.constant 0 : i32
        %ne3A_155 = arith.cmpi ne, %rem3A_153, %ne3A_154 : i32
        %and3A_156 = arith.andi %ne3A_152, %ne3A_155 : i1
        %sub3A_157 = arith.constant 1 : i32
        %sub3A_158 = arith.subi %div3A_137, %sub3A_157 : i32
        %select_n3A_159 = arith.select %and3A_156, %sub3A_158, %div3A_137 : i32
        %sub3A_160 = arith.subi %select_n3A_159, %select_n3A_131 : i32
        %add3A_161 = arith.constant 1 : i32
        %add3A_162 = arith.addi %sub3A_160, %add3A_161 : i32
        %jit3A_163 = arith.constant 2 : i32
        %div3A_164 = arith.divsi %add3A_162, %jit3A_163 : i32
        %sign3A_165 = arith.constant 0 : i32
        %sign3A_166 = arith.cmpi sgt, %add3A_162, %sign3A_165 : i32
        %sign3A_167 = arith.extui %sign3A_166 : i1 to i32
        %sign3A_168 = arith.constant 0 : i32
        %sign3A_169 = arith.cmpi slt, %add3A_162, %sign3A_168 : i32
        %sign3A_170 = arith.extui %sign3A_169 : i1 to i32
        %sign3A_171 = arith.subi %sign3A_167, %sign3A_170 : i32
        %sign3A_172 = arith.constant 0 : i32
        %sign3A_173 = arith.cmpi sgt, %jit3A_163, %sign3A_172 : i32
        %sign3A_174 = arith.extui %sign3A_173 : i1 to i32
        %sign3A_175 = arith.constant 0 : i32
        %sign3A_176 = arith.cmpi slt, %jit3A_163, %sign3A_175 : i32
        %sign3A_177 = arith.extui %sign3A_176 : i1 to i32
        %sign3A_178 = arith.subi %sign3A_174, %sign3A_177 : i32
        %ne3A_179 = arith.cmpi ne, %sign3A_171, %sign3A_178 : i32
        %rem3A_180 = arith.remsi %add3A_162, %jit3A_163 : i32
        %ne3A_181 = arith.constant 0 : i32
        %ne3A_182 = arith.cmpi ne, %rem3A_180, %ne3A_181 : i32
        %and3A_183 = arith.andi %ne3A_179, %ne3A_182 : i1
        %sub3A_184 = arith.constant 1 : i32
        %sub3A_185 = arith.subi %div3A_164, %sub3A_184 : i32
        %select_n3A_186 = arith.select %and3A_183, %sub3A_185, %div3A_164 : i32
        %while3A = arith.constant 0 : i32
        %while3A_187 = arith.subi %select_n3A_186, %while3A : i32
        %while3A_188 = arith.addi %while3A, %while3A_187 : i32
        %while3A_189 = arith.constant 1 : i32
        %while3A_190 = arith.divsi %while3A_187, %while3A_189 : i32
        %while3A_191 = arith.muli %while3A_190, %while3A_189 : i32
        %while3A_192 = arith.addi %while3A, %while3A_191 : i32
        %while3A_193 = arith.constant 1 : i32
        %while3A_194:16 = scf.for %while3A_336 = %while3A to %while3A_192 step %while3A_193 iter_args(%while3A_337 = %broadcast_in_dim3A_47, %while3A_338 = %broadcast_in_dim3A_47, %while3A_339 = %broadcast_in_dim3A_47, %while3A_340 = %broadcast_in_dim3A_47, %while3A_341 = %broadcast_in_dim3A_47, %while3A_342 = %broadcast_in_dim3A_47, %while3A_343 = %broadcast_in_dim3A_47, %while3A_344 = %broadcast_in_dim3A_47, %while3A_345 = %broadcast_in_dim3A_47, %while3A_346 = %broadcast_in_dim3A_47, %while3A_347 = %broadcast_in_dim3A_47, %while3A_348 = %broadcast_in_dim3A_47, %while3A_349 = %broadcast_in_dim3A_47, %while3A_350 = %broadcast_in_dim3A_47, %while3A_351 = %broadcast_in_dim3A_47, %while3A_352 = %broadcast_in_dim3A_47) -> (vector<16xf32>, vector<16xf32>, vector<16xf32>, vector<16xf32>, vector<16xf32>, vector<16xf32>, vector<16xf32>, vector<16xf32>, vector<16xf32>, vector<16xf32>, vector<16xf32>, vector<16xf32>, vector<16xf32>, vector<16xf32>, vector<16xf32>, vector<16xf32>)  : i32 {
          %mul3A_353 = arith.constant 2 : i32
          %mul3A_354 = arith.muli %while3A_336, %mul3A_353 : i32
          %add3A_355 = arith.addi %select_n3A_131, %mul3A_354 : i32
          %add3A_356 = arith.constant 0 : i32
          %add3A_357 = arith.addi %add3A_355, %add3A_356 : i32
          %mul3A_358 = arith.constant 16 : i32
          %mul3A_359 = arith.muli %add3A_357, %mul3A_358 : i32
          %add3A_360 = vector.broadcast %mul3A_359 : i32 to vector<16xi32>
          %add3A_361 = arith.addi %iota3A, %add3A_360 : vector<16xi32>
          %ge3A = vector.broadcast %scan3A_101 : i32 to vector<16xi32>
          %ge3A_362 = arith.cmpi sge, %add3A_361, %ge3A : vector<16xi32>
          %lt3A_363 = vector.broadcast %reduce_max3A_111 : i32 to vector<16xi32>
          %lt3A_364 = arith.cmpi slt, %add3A_361, %lt3A_363 : vector<16xi32>
          %and3A_365 = arith.andi %ge3A_362, %lt3A_364 : vector<16xi1>
          %jit3A_366 = arith.constant 8 : i32
          %div3A_367 = arith.divsi %add3A_357, %jit3A_366 : i32
          %sign3A_368 = arith.constant 0 : i32
          %sign3A_369 = arith.cmpi sgt, %add3A_357, %sign3A_368 : i32
          %sign3A_370 = arith.extui %sign3A_369 : i1 to i32
          %sign3A_371 = arith.constant 0 : i32
          %sign3A_372 = arith.cmpi slt, %add3A_357, %sign3A_371 : i32
          %sign3A_373 = arith.extui %sign3A_372 : i1 to i32
          %sign3A_374 = arith.subi %sign3A_370, %sign3A_373 : i32
          %sign3A_375 = arith.constant 0 : i32
          %sign3A_376 = arith.cmpi sgt, %jit3A_366, %sign3A_375 : i32
          %sign3A_377 = arith.extui %sign3A_376 : i1 to i32
          %sign3A_378 = arith.constant 0 : i32
          %sign3A_379 = arith.cmpi slt, %jit3A_366, %sign3A_378 : i32
          %sign3A_380 = arith.extui %sign3A_379 : i1 to i32
          %sign3A_381 = arith.subi %sign3A_377, %sign3A_380 : i32
          %ne3A_382 = arith.cmpi ne, %sign3A_374, %sign3A_381 : i32
          %rem3A_383 = arith.remsi %add3A_357, %jit3A_366 : i32
          %ne3A_384 = arith.constant 0 : i32
          %ne3A_385 = arith.cmpi ne, %rem3A_383, %ne3A_384 : i32
          %and3A_386 = arith.andi %ne3A_382, %ne3A_385 : i1
          %sub3A_387 = arith.constant 1 : i32
          %sub3A_388 = arith.subi %div3A_367, %sub3A_387 : i32
          %select_n3A_389 = arith.select %and3A_386, %sub3A_388, %div3A_367 : i32
          %mul3A_390 = arith.constant 1024 : i32
          %mul3A_391 = arith.muli %select_n3A_389, %mul3A_390 : i32
          %jit3A_392 = arith.constant 8 : i32
          %eq3A_393 = arith.constant 0 : i32
          %eq3A_394 = arith.cmpi eq, %jit3A_392, %eq3A_393 : i32
          %jit3A_395 = arith.constant 1 : i32
          %select_n3A_396 = arith.select %eq3A_394, %jit3A_395, %jit3A_392 : i32
          %rem3A_397 = arith.remsi %add3A_357, %select_n3A_396 : i32
          %ne3A_398 = arith.constant 0 : i32
          %ne3A_399 = arith.cmpi ne, %rem3A_397, %ne3A_398 : i32
          %lt3A_400 = arith.constant 0 : i32
          %lt3A_401 = arith.cmpi slt, %rem3A_397, %lt3A_400 : i32
          %lt3A_402 = arith.constant 0 : i32
          %lt3A_403 = arith.cmpi slt, %select_n3A_396, %lt3A_402 : i32
          %ne3A_404 = arith.xori %lt3A_401, %lt3A_403 : i1
          %and3A_405 = arith.andi %ne3A_404, %ne3A_399 : i1
          %add3A_406 = arith.addi %rem3A_397, %select_n3A_396 : i32
          %select_n3A_407 = arith.select %and3A_405, %add3A_406, %rem3A_397 : i32
          %mul3A_408 = arith.constant 16 : i32
          %mul3A_409 = arith.muli %select_n3A_407, %mul3A_408 : i32
          %add3A_410 = arith.addi %mul3A_391, %mul3A_409 : i32
          %add3A_411 = arith.constant 0 : i32
          %add3A_412 = arith.addi %add3A_411, %add3A_410 : i32
          %get3A_413 = arith.index_cast %add3A_412 : i32 to index
          %get3A_414 = tpu.vector_load %arg6[%get3A_413] {strides = array<i32>} : memref<16384xf32, #tpu.memory_space<vmem>>, vector<16xf32>,
          %select_n3A_415 = arith.select %and3A_365, %get3A_414, %broadcast_in_dim3A_47 : vector<16xi1>, vector<16xf32>
          %max3A = arith.maximumf %while3A_337, %select_n3A_415 : vector<16xf32>
          %add3A_416 = arith.constant 128 : i32
          %add3A_417 = arith.addi %add3A_416, %add3A_410 : i32
          %get3A_418 = arith.index_cast %add3A_417 : i32 to index
          %get3A_419 = tpu.vector_load %arg6[%get3A_418] {strides = array<i32>} : memref<16384xf32, #tpu.memory_space<vmem>>, vector<16xf32>,
          %select_n3A_420 = arith.select %and3A_365, %get3A_419, %broadcast_in_dim3A_47 : vector<16xi1>, vector<16xf32>
          %max3A_421 = arith.maximumf %while3A_338, %select_n3A_420 : vector<16xf32>
          %add3A_422 = arith.constant 256 : i32
          %add3A_423 = arith.addi %add3A_422, %add3A_410 : i32
          %get3A_424 = arith.index_cast %add3A_423 : i32 to index
          %get3A_425 = tpu.vector_load %arg6[%get3A_424] {strides = array<i32>} : memref<16384xf32, #tpu.memory_space<vmem>>, vector<16xf32>,
          %select_n3A_426 = arith.select %and3A_365, %get3A_425, %broadcast_in_dim3A_47 : vector<16xi1>, vector<16xf32>
          %max3A_427 = arith.maximumf %while3A_339, %select_n3A_426 : vector<16xf32>
          %add3A_428 = arith.constant 384 : i32
          %add3A_429 = arith.addi %add3A_428, %add3A_410 : i32
          %get3A_430 = arith.index_cast %add3A_429 : i32 to index
          %get3A_431 = tpu.vector_load %arg6[%get3A_430] {strides = array<i32>} : memref<16384xf32, #tpu.memory_space<vmem>>, vector<16xf32>,
          %select_n3A_432 = arith.select %and3A_365, %get3A_431, %broadcast_in_dim3A_47 : vector<16xi1>, vector<16xf32>
          %max3A_433 = arith.maximumf %while3A_340, %select_n3A_432 : vector<16xf32>
          %add3A_434 = arith.constant 512 : i32
          %add3A_435 = arith.addi %add3A_434, %add3A_410 : i32
          %get3A_436 = arith.index_cast %add3A_435 : i32 to index
          %get3A_437 = tpu.vector_load %arg6[%get3A_436] {strides = array<i32>} : memref<16384xf32, #tpu.memory_space<vmem>>, vector<16xf32>,
          %select_n3A_438 = arith.select %and3A_365, %get3A_437, %broadcast_in_dim3A_47 : vector<16xi1>, vector<16xf32>
          %max3A_439 = arith.maximumf %while3A_341, %select_n3A_438 : vector<16xf32>
          %add3A_440 = arith.constant 640 : i32
          %add3A_441 = arith.addi %add3A_440, %add3A_410 : i32
          %get3A_442 = arith.index_cast %add3A_441 : i32 to index
          %get3A_443 = tpu.vector_load %arg6[%get3A_442] {strides = array<i32>} : memref<16384xf32, #tpu.memory_space<vmem>>, vector<16xf32>,
          %select_n3A_444 = arith.select %and3A_365, %get3A_443, %broadcast_in_dim3A_47 : vector<16xi1>, vector<16xf32>
          %max3A_445 = arith.maximumf %while3A_342, %select_n3A_444 : vector<16xf32>
          %add3A_446 = arith.constant 768 : i32
          %add3A_447 = arith.addi %add3A_446, %add3A_410 : i32
          %get3A_448 = arith.index_cast %add3A_447 : i32 to index
          %get3A_449 = tpu.vector_load %arg6[%get3A_448] {strides = array<i32>} : memref<16384xf32, #tpu.memory_space<vmem>>, vector<16xf32>,
          %select_n3A_450 = arith.select %and3A_365, %get3A_449, %broadcast_in_dim3A_47 : vector<16xi1>, vector<16xf32>
          %max3A_451 = arith.maximumf %while3A_343, %select_n3A_450 : vector<16xf32>
          %add3A_452 = arith.constant 896 : i32
          %add3A_453 = arith.addi %add3A_452, %add3A_410 : i32
          %get3A_454 = arith.index_cast %add3A_453 : i32 to index
          %get3A_455 = tpu.vector_load %arg6[%get3A_454] {strides = array<i32>} : memref<16384xf32, #tpu.memory_space<vmem>>, vector<16xf32>,
          %select_n3A_456 = arith.select %and3A_365, %get3A_455, %broadcast_in_dim3A_47 : vector<16xi1>, vector<16xf32>
          %max3A_457 = arith.maximumf %while3A_344, %select_n3A_456 : vector<16xf32>
          %add3A_458 = arith.constant 8192 : i32
          %add3A_459 = arith.addi %add3A_458, %add3A_410 : i32
          %get3A_460 = arith.index_cast %add3A_459 : i32 to index
          %get3A_461 = tpu.vector_load %arg6[%get3A_460] {strides = array<i32>} : memref<16384xf32, #tpu.memory_space<vmem>>, vector<16xf32>,
          %select_n3A_462 = arith.select %and3A_365, %get3A_461, %broadcast_in_dim3A_47 : vector<16xi1>, vector<16xf32>
          %max3A_463 = arith.maximumf %while3A_345, %select_n3A_462 : vector<16xf32>
          %add3A_464 = arith.constant 8320 : i32
          %add3A_465 = arith.addi %add3A_464, %add3A_410 : i32
          %get3A_466 = arith.index_cast %add3A_465 : i32 to index
          %get3A_467 = tpu.vector_load %arg6[%get3A_466] {strides = array<i32>} : memref<16384xf32, #tpu.memory_space<vmem>>, vector<16xf32>,
          %select_n3A_468 = arith.select %and3A_365, %get3A_467, %broadcast_in_dim3A_47 : vector<16xi1>, vector<16xf32>
          %max3A_469 = arith.maximumf %while3A_346, %select_n3A_468 : vector<16xf32>
          %add3A_470 = arith.constant 8448 : i32
          %add3A_471 = arith.addi %add3A_470, %add3A_410 : i32
          %get3A_472 = arith.index_cast %add3A_471 : i32 to index
          %get3A_473 = tpu.vector_load %arg6[%get3A_472] {strides = array<i32>} : memref<16384xf32, #tpu.memory_space<vmem>>, vector<16xf32>,
          %select_n3A_474 = arith.select %and3A_365, %get3A_473, %broadcast_in_dim3A_47 : vector<16xi1>, vector<16xf32>
          %max3A_475 = arith.maximumf %while3A_347, %select_n3A_474 : vector<16xf32>
          %add3A_476 = arith.constant 8576 : i32
          %add3A_477 = arith.addi %add3A_476, %add3A_410 : i32
          %get3A_478 = arith.index_cast %add3A_477 : i32 to index
          %get3A_479 = tpu.vector_load %arg6[%get3A_478] {strides = array<i32>} : memref<16384xf32, #tpu.memory_space<vmem>>, vector<16xf32>,
          %select_n3A_480 = arith.select %and3A_365, %get3A_479, %broadcast_in_dim3A_47 : vector<16xi1>, vector<16xf32>
          %max3A_481 = arith.maximumf %while3A_348, %select_n3A_480 : vector<16xf32>
          %add3A_482 = arith.constant 8704 : i32
          %add3A_483 = arith.addi %add3A_482, %add3A_410 : i32
          %get3A_484 = arith.index_cast %add3A_483 : i32 to index
          %get3A_485 = tpu.vector_load %arg6[%get3A_484] {strides = array<i32>} : memref<16384xf32, #tpu.memory_space<vmem>>, vector<16xf32>,
          %select_n3A_486 = arith.select %and3A_365, %get3A_485, %broadcast_in_dim3A_47 : vector<16xi1>, vector<16xf32>
          %max3A_487 = arith.maximumf %while3A_349, %select_n3A_486 : vector<16xf32>
          %add3A_488 = arith.constant 8832 : i32
          %add3A_489 = arith.addi %add3A_488, %add3A_410 : i32
          %get3A_490 = arith.index_cast %add3A_489 : i32 to index
          %get3A_491 = tpu.vector_load %arg6[%get3A_490] {strides = array<i32>} : memref<16384xf32, #tpu.memory_space<vmem>>, vector<16xf32>,
          %select_n3A_492 = arith.select %and3A_365, %get3A_491, %broadcast_in_dim3A_47 : vector<16xi1>, vector<16xf32>
          %max3A_493 = arith.maximumf %while3A_350, %select_n3A_492 : vector<16xf32>
          %add3A_494 = arith.constant 8960 : i32
          %add3A_495 = arith.addi %add3A_494, %add3A_410 : i32
          %get3A_496 = arith.index_cast %add3A_495 : i32 to index
          %get3A_497 = tpu.vector_load %arg6[%get3A_496] {strides = array<i32>} : memref<16384xf32, #tpu.memory_space<vmem>>, vector<16xf32>,
          %select_n3A_498 = arith.select %and3A_365, %get3A_497, %broadcast_in_dim3A_47 : vector<16xi1>, vector<16xf32>
          %max3A_499 = arith.maximumf %while3A_351, %select_n3A_498 : vector<16xf32>
          %add3A_500 = arith.constant 9088 : i32
          %add3A_501 = arith.addi %add3A_500, %add3A_410 : i32
          %get3A_502 = arith.index_cast %add3A_501 : i32 to index
          %get3A_503 = tpu.vector_load %arg6[%get3A_502] {strides = array<i32>} : memref<16384xf32, #tpu.memory_space<vmem>>, vector<16xf32>,
          %select_n3A_504 = arith.select %and3A_365, %get3A_503, %broadcast_in_dim3A_47 : vector<16xi1>, vector<16xf32>
          %max3A_505 = arith.maximumf %while3A_352, %select_n3A_504 : vector<16xf32>
          %mul3A_506 = arith.constant 2 : i32
          %mul3A_507 = arith.muli %while3A_336, %mul3A_506 : i32
          %add3A_508 = arith.addi %select_n3A_131, %mul3A_507 : i32
          %add3A_509 = arith.constant 1 : i32
          %add3A_510 = arith.addi %add3A_508, %add3A_509 : i32
          %mul3A_511 = arith.constant 16 : i32
          %mul3A_512 = arith.muli %add3A_510, %mul3A_511 : i32
          %add3A_513 = vector.broadcast %mul3A_512 : i32 to vector<16xi32>
          %add3A_514 = arith.addi %iota3A, %add3A_513 : vector<16xi32>
          %ge3A_515 = vector.broadcast %scan3A_101 : i32 to vector<16xi32>
          %ge3A_516 = arith.cmpi sge, %add3A_514, %ge3A_515 : vector<16xi32>
          %lt3A_517 = vector.broadcast %reduce_max3A_111 : i32 to vector<16xi32>
          %lt3A_518 = arith.cmpi slt, %add3A_514, %lt3A_517 : vector<16xi32>
          %and3A_519 = arith.andi %ge3A_516, %lt3A_518 : vector<16xi1>
          %jit3A_520 = arith.constant 8 : i32
          %div3A_521 = arith.divsi %add3A_510, %jit3A_520 : i32
          %sign3A_522 = arith.constant 0 : i32
          %sign3A_523 = arith.cmpi sgt, %add3A_510, %sign3A_522 : i32
          %sign3A_524 = arith.extui %sign3A_523 : i1 to i32
          %sign3A_525 = arith.constant 0 : i32
          %sign3A_526 = arith.cmpi slt, %add3A_510, %sign3A_525 : i32
          %sign3A_527 = arith.extui %sign3A_526 : i1 to i32
          %sign3A_528 = arith.subi %sign3A_524, %sign3A_527 : i32
          %sign3A_529 = arith.constant 0 : i32
          %sign3A_530 = arith.cmpi sgt, %jit3A_520, %sign3A_529 : i32
          %sign3A_531 = arith.extui %sign3A_530 : i1 to i32
          %sign3A_532 = arith.constant 0 : i32
          %sign3A_533 = arith.cmpi slt, %jit3A_520, %sign3A_532 : i32
          %sign3A_534 = arith.extui %sign3A_533 : i1 to i32
          %sign3A_535 = arith.subi %sign3A_531, %sign3A_534 : i32
          %ne3A_536 = arith.cmpi ne, %sign3A_528, %sign3A_535 : i32
          %rem3A_537 = arith.remsi %add3A_510, %jit3A_520 : i32
          %ne3A_538 = arith.constant 0 : i32
          %ne3A_539 = arith.cmpi ne, %rem3A_537, %ne3A_538 : i32
          %and3A_540 = arith.andi %ne3A_536, %ne3A_539 : i1
          %sub3A_541 = arith.constant 1 : i32
          %sub3A_542 = arith.subi %div3A_521, %sub3A_541 : i32
          %select_n3A_543 = arith.select %and3A_540, %sub3A_542, %div3A_521 : i32
          %mul3A_544 = arith.constant 1024 : i32
          %mul3A_545 = arith.muli %select_n3A_543, %mul3A_544 : i32
          %jit3A_546 = arith.constant 8 : i32
          %eq3A_547 = arith.constant 0 : i32
          %eq3A_548 = arith.cmpi eq, %jit3A_546, %eq3A_547 : i32
          %jit3A_549 = arith.constant 1 : i32
          %select_n3A_550 = arith.select %eq3A_548, %jit3A_549, %jit3A_546 : i32
          %rem3A_551 = arith.remsi %add3A_510, %select_n3A_550 : i32
          %ne3A_552 = arith.constant 0 : i32
          %ne3A_553 = arith.cmpi ne, %rem3A_551, %ne3A_552 : i32
          %lt3A_554 = arith.constant 0 : i32
          %lt3A_555 = arith.cmpi slt, %rem3A_551, %lt3A_554 : i32
          %lt3A_556 = arith.constant 0 : i32
          %lt3A_557 = arith.cmpi slt, %select_n3A_550, %lt3A_556 : i32
          %ne3A_558 = arith.xori %lt3A_555, %lt3A_557 : i1
          %and3A_559 = arith.andi %ne3A_558, %ne3A_553 : i1
          %add3A_560 = arith.addi %rem3A_551, %select_n3A_550 : i32
          %select_n3A_561 = arith.select %and3A_559, %add3A_560, %rem3A_551 : i32
          %mul3A_562 = arith.constant 16 : i32
          %mul3A_563 = arith.muli %select_n3A_561, %mul3A_562 : i32
          %add3A_564 = arith.addi %mul3A_545, %mul3A_563 : i32
          %add3A_565 = arith.constant 0 : i32
          %add3A_566 = arith.addi %add3A_565, %add3A_564 : i32
          %get3A_567 = arith.index_cast %add3A_566 : i32 to index
          %get3A_568 = tpu.vector_load %arg6[%get3A_567] {strides = array<i32>} : memref<16384xf32, #tpu.memory_space<vmem>>, vector<16xf32>,
          %select_n3A_569 = arith.select %and3A_519, %get3A_568, %broadcast_in_dim3A_47 : vector<16xi1>, vector<16xf32>
          %max3A_570 = arith.maximumf %max3A, %select_n3A_569 : vector<16xf32>
          %add3A_571 = arith.constant 128 : i32
          %add3A_572 = arith.addi %add3A_571, %add3A_564 : i32
          %get3A_573 = arith.index_cast %add3A_572 : i32 to index
          %get3A_574 = tpu.vector_load %arg6[%get3A_573] {strides = array<i32>} : memref<16384xf32, #tpu.memory_space<vmem>>, vector<16xf32>,
          %select_n3A_575 = arith.select %and3A_519, %get3A_574, %broadcast_in_dim3A_47 : vector<16xi1>, vector<16xf32>
          %max3A_576 = arith.maximumf %max3A_421, %select_n3A_575 : vector<16xf32>
          %add3A_577 = arith.constant 256 : i32
          %add3A_578 = arith.addi %add3A_577, %add3A_564 : i32
          %get3A_579 = arith.index_cast %add3A_578 : i32 to index
          %get3A_580 = tpu.vector_load %arg6[%get3A_579] {strides = array<i32>} : memref<16384xf32, #tpu.memory_space<vmem>>, vector<16xf32>,
          %select_n3A_581 = arith.select %and3A_519, %get3A_580, %broadcast_in_dim3A_47 : vector<16xi1>, vector<16xf32>
          %max3A_582 = arith.maximumf %max3A_427, %select_n3A_581 : vector<16xf32>
          %add3A_583 = arith.constant 384 : i32
          %add3A_584 = arith.addi %add3A_583, %add3A_564 : i32
          %get3A_585 = arith.index_cast %add3A_584 : i32 to index
          %get3A_586 = tpu.vector_load %arg6[%get3A_585] {strides = array<i32>} : memref<16384xf32, #tpu.memory_space<vmem>>, vector<16xf32>,
          %select_n3A_587 = arith.select %and3A_519, %get3A_586, %broadcast_in_dim3A_47 : vector<16xi1>, vector<16xf32>
          %max3A_588 = arith.maximumf %max3A_433, %select_n3A_587 : vector<16xf32>
          %add3A_589 = arith.constant 512 : i32
          %add3A_590 = arith.addi %add3A_589, %add3A_564 : i32
          %get3A_591 = arith.index_cast %add3A_590 : i32 to index
          %get3A_592 = tpu.vector_load %arg6[%get3A_591] {strides = array<i32>} : memref<16384xf32, #tpu.memory_space<vmem>>, vector<16xf32>,
          %select_n3A_593 = arith.select %and3A_519, %get3A_592, %broadcast_in_dim3A_47 : vector<16xi1>, vector<16xf32>
          %max3A_594 = arith.maximumf %max3A_439, %select_n3A_593 : vector<16xf32>
          %add3A_595 = arith.constant 640 : i32
          %add3A_596 = arith.addi %add3A_595, %add3A_564 : i32
          %get3A_597 = arith.index_cast %add3A_596 : i32 to index
          %get3A_598 = tpu.vector_load %arg6[%get3A_597] {strides = array<i32>} : memref<16384xf32, #tpu.memory_space<vmem>>, vector<16xf32>,
          %select_n3A_599 = arith.select %and3A_519, %get3A_598, %broadcast_in_dim3A_47 : vector<16xi1>, vector<16xf32>
          %max3A_600 = arith.maximumf %max3A_445, %select_n3A_599 : vector<16xf32>
          %add3A_601 = arith.constant 768 : i32
          %add3A_602 = arith.addi %add3A_601, %add3A_564 : i32
          %get3A_603 = arith.index_cast %add3A_602 : i32 to index
          %get3A_604 = tpu.vector_load %arg6[%get3A_603] {strides = array<i32>} : memref<16384xf32, #tpu.memory_space<vmem>>, vector<16xf32>,
          %select_n3A_605 = arith.select %and3A_519, %get3A_604, %broadcast_in_dim3A_47 : vector<16xi1>, vector<16xf32>
          %max3A_606 = arith.maximumf %max3A_451, %select_n3A_605 : vector<16xf32>
          %add3A_607 = arith.constant 896 : i32
          %add3A_608 = arith.addi %add3A_607, %add3A_564 : i32
          %get3A_609 = arith.index_cast %add3A_608 : i32 to index
          %get3A_610 = tpu.vector_load %arg6[%get3A_609] {strides = array<i32>} : memref<16384xf32, #tpu.memory_space<vmem>>, vector<16xf32>,
          %select_n3A_611 = arith.select %and3A_519, %get3A_610, %broadcast_in_dim3A_47 : vector<16xi1>, vector<16xf32>
          %max3A_612 = arith.maximumf %max3A_457, %select_n3A_611 : vector<16xf32>
          %add3A_613 = arith.constant 8192 : i32
          %add3A_614 = arith.addi %add3A_613, %add3A_564 : i32
          %get3A_615 = arith.index_cast %add3A_614 : i32 to index
          %get3A_616 = tpu.vector_load %arg6[%get3A_615] {strides = array<i32>} : memref<16384xf32, #tpu.memory_space<vmem>>, vector<16xf32>,
          %select_n3A_617 = arith.select %and3A_519, %get3A_616, %broadcast_in_dim3A_47 : vector<16xi1>, vector<16xf32>
          %max3A_618 = arith.maximumf %max3A_463, %select_n3A_617 : vector<16xf32>
          %add3A_619 = arith.constant 8320 : i32
          %add3A_620 = arith.addi %add3A_619, %add3A_564 : i32
          %get3A_621 = arith.index_cast %add3A_620 : i32 to index
          %get3A_622 = tpu.vector_load %arg6[%get3A_621] {strides = array<i32>} : memref<16384xf32, #tpu.memory_space<vmem>>, vector<16xf32>,
          %select_n3A_623 = arith.select %and3A_519, %get3A_622, %broadcast_in_dim3A_47 : vector<16xi1>, vector<16xf32>
          %max3A_624 = arith.maximumf %max3A_469, %select_n3A_623 : vector<16xf32>
          %add3A_625 = arith.constant 8448 : i32
          %add3A_626 = arith.addi %add3A_625, %add3A_564 : i32
          %get3A_627 = arith.index_cast %add3A_626 : i32 to index
          %get3A_628 = tpu.vector_load %arg6[%get3A_627] {strides = array<i32>} : memref<16384xf32, #tpu.memory_space<vmem>>, vector<16xf32>,
          %select_n3A_629 = arith.select %and3A_519, %get3A_628, %broadcast_in_dim3A_47 : vector<16xi1>, vector<16xf32>
          %max3A_630 = arith.maximumf %max3A_475, %select_n3A_629 : vector<16xf32>
          %add3A_631 = arith.constant 8576 : i32
          %add3A_632 = arith.addi %add3A_631, %add3A_564 : i32
          %get3A_633 = arith.index_cast %add3A_632 : i32 to index
          %get3A_634 = tpu.vector_load %arg6[%get3A_633] {strides = array<i32>} : memref<16384xf32, #tpu.memory_space<vmem>>, vector<16xf32>,
          %select_n3A_635 = arith.select %and3A_519, %get3A_634, %broadcast_in_dim3A_47 : vector<16xi1>, vector<16xf32>
          %max3A_636 = arith.maximumf %max3A_481, %select_n3A_635 : vector<16xf32>
          %add3A_637 = arith.constant 8704 : i32
          %add3A_638 = arith.addi %add3A_637, %add3A_564 : i32
          %get3A_639 = arith.index_cast %add3A_638 : i32 to index
          %get3A_640 = tpu.vector_load %arg6[%get3A_639] {strides = array<i32>} : memref<16384xf32, #tpu.memory_space<vmem>>, vector<16xf32>,
          %select_n3A_641 = arith.select %and3A_519, %get3A_640, %broadcast_in_dim3A_47 : vector<16xi1>, vector<16xf32>
          %max3A_642 = arith.maximumf %max3A_487, %select_n3A_641 : vector<16xf32>
          %add3A_643 = arith.constant 8832 : i32
          %add3A_644 = arith.addi %add3A_643, %add3A_564 : i32
          %get3A_645 = arith.index_cast %add3A_644 : i32 to index
          %get3A_646 = tpu.vector_load %arg6[%get3A_645] {strides = array<i32>} : memref<16384xf32, #tpu.memory_space<vmem>>, vector<16xf32>,
          %select_n3A_647 = arith.select %and3A_519, %get3A_646, %broadcast_in_dim3A_47 : vector<16xi1>, vector<16xf32>
          %max3A_648 = arith.maximumf %max3A_493, %select_n3A_647 : vector<16xf32>
          %add3A_649 = arith.constant 8960 : i32
          %add3A_650 = arith.addi %add3A_649, %add3A_564 : i32
          %get3A_651 = arith.index_cast %add3A_650 : i32 to index
          %get3A_652 = tpu.vector_load %arg6[%get3A_651] {strides = array<i32>} : memref<16384xf32, #tpu.memory_space<vmem>>, vector<16xf32>,
          %select_n3A_653 = arith.select %and3A_519, %get3A_652, %broadcast_in_dim3A_47 : vector<16xi1>, vector<16xf32>
          %max3A_654 = arith.maximumf %max3A_499, %select_n3A_653 : vector<16xf32>
          %add3A_655 = arith.constant 9088 : i32
          %add3A_656 = arith.addi %add3A_655, %add3A_564 : i32
          %get3A_657 = arith.index_cast %add3A_656 : i32 to index
          %get3A_658 = tpu.vector_load %arg6[%get3A_657] {strides = array<i32>} : memref<16384xf32, #tpu.memory_space<vmem>>, vector<16xf32>,
          %select_n3A_659 = arith.select %and3A_519, %get3A_658, %broadcast_in_dim3A_47 : vector<16xi1>, vector<16xf32>
          %max3A_660 = arith.maximumf %max3A_505, %select_n3A_659 : vector<16xf32>
          scf.yield %max3A_570, %max3A_576, %max3A_582, %max3A_588, %max3A_594, %max3A_600, %max3A_606, %max3A_612, %max3A_618, %max3A_624, %max3A_630, %max3A_636, %max3A_642, %max3A_648, %max3A_654, %max3A_660 : vector<16xf32>, vector<16xf32>, vector<16xf32>, vector<16xf32>, vector<16xf32>, vector<16xf32>, vector<16xf32>, vector<16xf32>, vector<16xf32>, vector<16xf32>, vector<16xf32>, vector<16xf32>, vector<16xf32>, vector<16xf32>, vector<16xf32>, vector<16xf32>
        }
        %while3A_195 = arith.constant 1 : i32
        %while3A_196:16 = scf.for %while3A_336 = %while3A_192 to %while3A_188 step %while3A_195 iter_args(%while3A_337 = %while3A_194#0, %while3A_338 = %while3A_194#1, %while3A_339 = %while3A_194#2, %while3A_340 = %while3A_194#3, %while3A_341 = %while3A_194#4, %while3A_342 = %while3A_194#5, %while3A_343 = %while3A_194#6, %while3A_344 = %while3A_194#7, %while3A_345 = %while3A_194#8, %while3A_346 = %while3A_194#9, %while3A_347 = %while3A_194#10, %while3A_348 = %while3A_194#11, %while3A_349 = %while3A_194#12, %while3A_350 = %while3A_194#13, %while3A_351 = %while3A_194#14, %while3A_352 = %while3A_194#15) -> (vector<16xf32>, vector<16xf32>, vector<16xf32>, vector<16xf32>, vector<16xf32>, vector<16xf32>, vector<16xf32>, vector<16xf32>, vector<16xf32>, vector<16xf32>, vector<16xf32>, vector<16xf32>, vector<16xf32>, vector<16xf32>, vector<16xf32>, vector<16xf32>)  : i32 {
          %mul3A_353 = arith.constant 2 : i32
          %mul3A_354 = arith.muli %while3A_336, %mul3A_353 : i32
          %add3A_355 = arith.addi %select_n3A_131, %mul3A_354 : i32
          %add3A_356 = arith.constant 0 : i32
          %add3A_357 = arith.addi %add3A_355, %add3A_356 : i32
          %mul3A_358 = arith.constant 16 : i32
          %mul3A_359 = arith.muli %add3A_357, %mul3A_358 : i32
          %add3A_360 = vector.broadcast %mul3A_359 : i32 to vector<16xi32>
          %add3A_361 = arith.addi %iota3A, %add3A_360 : vector<16xi32>
          %ge3A = vector.broadcast %scan3A_101 : i32 to vector<16xi32>
          %ge3A_362 = arith.cmpi sge, %add3A_361, %ge3A : vector<16xi32>
          %lt3A_363 = vector.broadcast %reduce_max3A_111 : i32 to vector<16xi32>
          %lt3A_364 = arith.cmpi slt, %add3A_361, %lt3A_363 : vector<16xi32>
          %and3A_365 = arith.andi %ge3A_362, %lt3A_364 : vector<16xi1>
          %jit3A_366 = arith.constant 8 : i32
          %div3A_367 = arith.divsi %add3A_357, %jit3A_366 : i32
          %sign3A_368 = arith.constant 0 : i32
          %sign3A_369 = arith.cmpi sgt, %add3A_357, %sign3A_368 : i32
          %sign3A_370 = arith.extui %sign3A_369 : i1 to i32
          %sign3A_371 = arith.constant 0 : i32
          %sign3A_372 = arith.cmpi slt, %add3A_357, %sign3A_371 : i32
          %sign3A_373 = arith.extui %sign3A_372 : i1 to i32
          %sign3A_374 = arith.subi %sign3A_370, %sign3A_373 : i32
          %sign3A_375 = arith.constant 0 : i32
          %sign3A_376 = arith.cmpi sgt, %jit3A_366, %sign3A_375 : i32
          %sign3A_377 = arith.extui %sign3A_376 : i1 to i32
          %sign3A_378 = arith.constant 0 : i32
          %sign3A_379 = arith.cmpi slt, %jit3A_366, %sign3A_378 : i32
          %sign3A_380 = arith.extui %sign3A_379 : i1 to i32
          %sign3A_381 = arith.subi %sign3A_377, %sign3A_380 : i32
          %ne3A_382 = arith.cmpi ne, %sign3A_374, %sign3A_381 : i32
          %rem3A_383 = arith.remsi %add3A_357, %jit3A_366 : i32
          %ne3A_384 = arith.constant 0 : i32
          %ne3A_385 = arith.cmpi ne, %rem3A_383, %ne3A_384 : i32
          %and3A_386 = arith.andi %ne3A_382, %ne3A_385 : i1
          %sub3A_387 = arith.constant 1 : i32
          %sub3A_388 = arith.subi %div3A_367, %sub3A_387 : i32
          %select_n3A_389 = arith.select %and3A_386, %sub3A_388, %div3A_367 : i32
          %mul3A_390 = arith.constant 1024 : i32
          %mul3A_391 = arith.muli %select_n3A_389, %mul3A_390 : i32
          %jit3A_392 = arith.constant 8 : i32
          %eq3A_393 = arith.constant 0 : i32
          %eq3A_394 = arith.cmpi eq, %jit3A_392, %eq3A_393 : i32
          %jit3A_395 = arith.constant 1 : i32
          %select_n3A_396 = arith.select %eq3A_394, %jit3A_395, %jit3A_392 : i32
          %rem3A_397 = arith.remsi %add3A_357, %select_n3A_396 : i32
          %ne3A_398 = arith.constant 0 : i32
          %ne3A_399 = arith.cmpi ne, %rem3A_397, %ne3A_398 : i32
          %lt3A_400 = arith.constant 0 : i32
          %lt3A_401 = arith.cmpi slt, %rem3A_397, %lt3A_400 : i32
          %lt3A_402 = arith.constant 0 : i32
          %lt3A_403 = arith.cmpi slt, %select_n3A_396, %lt3A_402 : i32
          %ne3A_404 = arith.xori %lt3A_401, %lt3A_403 : i1
          %and3A_405 = arith.andi %ne3A_404, %ne3A_399 : i1
          %add3A_406 = arith.addi %rem3A_397, %select_n3A_396 : i32
          %select_n3A_407 = arith.select %and3A_405, %add3A_406, %rem3A_397 : i32
          %mul3A_408 = arith.constant 16 : i32
          %mul3A_409 = arith.muli %select_n3A_407, %mul3A_408 : i32
          %add3A_410 = arith.addi %mul3A_391, %mul3A_409 : i32
          %add3A_411 = arith.constant 0 : i32
          %add3A_412 = arith.addi %add3A_411, %add3A_410 : i32
          %get3A_413 = arith.index_cast %add3A_412 : i32 to index
          %get3A_414 = tpu.vector_load %arg6[%get3A_413] {strides = array<i32>} : memref<16384xf32, #tpu.memory_space<vmem>>, vector<16xf32>,
          %select_n3A_415 = arith.select %and3A_365, %get3A_414, %broadcast_in_dim3A_47 : vector<16xi1>, vector<16xf32>
          %max3A = arith.maximumf %while3A_337, %select_n3A_415 : vector<16xf32>
          %add3A_416 = arith.constant 128 : i32
          %add3A_417 = arith.addi %add3A_416, %add3A_410 : i32
          %get3A_418 = arith.index_cast %add3A_417 : i32 to index
          %get3A_419 = tpu.vector_load %arg6[%get3A_418] {strides = array<i32>} : memref<16384xf32, #tpu.memory_space<vmem>>, vector<16xf32>,
          %select_n3A_420 = arith.select %and3A_365, %get3A_419, %broadcast_in_dim3A_47 : vector<16xi1>, vector<16xf32>
          %max3A_421 = arith.maximumf %while3A_338, %select_n3A_420 : vector<16xf32>
          %add3A_422 = arith.constant 256 : i32
          %add3A_423 = arith.addi %add3A_422, %add3A_410 : i32
          %get3A_424 = arith.index_cast %add3A_423 : i32 to index
          %get3A_425 = tpu.vector_load %arg6[%get3A_424] {strides = array<i32>} : memref<16384xf32, #tpu.memory_space<vmem>>, vector<16xf32>,
          %select_n3A_426 = arith.select %and3A_365, %get3A_425, %broadcast_in_dim3A_47 : vector<16xi1>, vector<16xf32>
          %max3A_427 = arith.maximumf %while3A_339, %select_n3A_426 : vector<16xf32>
          %add3A_428 = arith.constant 384 : i32
          %add3A_429 = arith.addi %add3A_428, %add3A_410 : i32
          %get3A_430 = arith.index_cast %add3A_429 : i32 to index
          %get3A_431 = tpu.vector_load %arg6[%get3A_430] {strides = array<i32>} : memref<16384xf32, #tpu.memory_space<vmem>>, vector<16xf32>,
          %select_n3A_432 = arith.select %and3A_365, %get3A_431, %broadcast_in_dim3A_47 : vector<16xi1>, vector<16xf32>
          %max3A_433 = arith.maximumf %while3A_340, %select_n3A_432 : vector<16xf32>
          %add3A_434 = arith.constant 512 : i32
          %add3A_435 = arith.addi %add3A_434, %add3A_410 : i32
          %get3A_436 = arith.index_cast %add3A_435 : i32 to index
          %get3A_437 = tpu.vector_load %arg6[%get3A_436] {strides = array<i32>} : memref<16384xf32, #tpu.memory_space<vmem>>, vector<16xf32>,
          %select_n3A_438 = arith.select %and3A_365, %get3A_437, %broadcast_in_dim3A_47 : vector<16xi1>, vector<16xf32>
          %max3A_439 = arith.maximumf %while3A_341, %select_n3A_438 : vector<16xf32>
          %add3A_440 = arith.constant 640 : i32
          %add3A_441 = arith.addi %add3A_440, %add3A_410 : i32
          %get3A_442 = arith.index_cast %add3A_441 : i32 to index
          %get3A_443 = tpu.vector_load %arg6[%get3A_442] {strides = array<i32>} : memref<16384xf32, #tpu.memory_space<vmem>>, vector<16xf32>,
          %select_n3A_444 = arith.select %and3A_365, %get3A_443, %broadcast_in_dim3A_47 : vector<16xi1>, vector<16xf32>
          %max3A_445 = arith.maximumf %while3A_342, %select_n3A_444 : vector<16xf32>
          %add3A_446 = arith.constant 768 : i32
          %add3A_447 = arith.addi %add3A_446, %add3A_410 : i32
          %get3A_448 = arith.index_cast %add3A_447 : i32 to index
          %get3A_449 = tpu.vector_load %arg6[%get3A_448] {strides = array<i32>} : memref<16384xf32, #tpu.memory_space<vmem>>, vector<16xf32>,
          %select_n3A_450 = arith.select %and3A_365, %get3A_449, %broadcast_in_dim3A_47 : vector<16xi1>, vector<16xf32>
          %max3A_451 = arith.maximumf %while3A_343, %select_n3A_450 : vector<16xf32>
          %add3A_452 = arith.constant 896 : i32
          %add3A_453 = arith.addi %add3A_452, %add3A_410 : i32
          %get3A_454 = arith.index_cast %add3A_453 : i32 to index
          %get3A_455 = tpu.vector_load %arg6[%get3A_454] {strides = array<i32>} : memref<16384xf32, #tpu.memory_space<vmem>>, vector<16xf32>,
          %select_n3A_456 = arith.select %and3A_365, %get3A_455, %broadcast_in_dim3A_47 : vector<16xi1>, vector<16xf32>
          %max3A_457 = arith.maximumf %while3A_344, %select_n3A_456 : vector<16xf32>
          %add3A_458 = arith.constant 8192 : i32
          %add3A_459 = arith.addi %add3A_458, %add3A_410 : i32
          %get3A_460 = arith.index_cast %add3A_459 : i32 to index
          %get3A_461 = tpu.vector_load %arg6[%get3A_460] {strides = array<i32>} : memref<16384xf32, #tpu.memory_space<vmem>>, vector<16xf32>,
          %select_n3A_462 = arith.select %and3A_365, %get3A_461, %broadcast_in_dim3A_47 : vector<16xi1>, vector<16xf32>
          %max3A_463 = arith.maximumf %while3A_345, %select_n3A_462 : vector<16xf32>
          %add3A_464 = arith.constant 8320 : i32
          %add3A_465 = arith.addi %add3A_464, %add3A_410 : i32
          %get3A_466 = arith.index_cast %add3A_465 : i32 to index
          %get3A_467 = tpu.vector_load %arg6[%get3A_466] {strides = array<i32>} : memref<16384xf32, #tpu.memory_space<vmem>>, vector<16xf32>,
          %select_n3A_468 = arith.select %and3A_365, %get3A_467, %broadcast_in_dim3A_47 : vector<16xi1>, vector<16xf32>
          %max3A_469 = arith.maximumf %while3A_346, %select_n3A_468 : vector<16xf32>
          %add3A_470 = arith.constant 8448 : i32
          %add3A_471 = arith.addi %add3A_470, %add3A_410 : i32
          %get3A_472 = arith.index_cast %add3A_471 : i32 to index
          %get3A_473 = tpu.vector_load %arg6[%get3A_472] {strides = array<i32>} : memref<16384xf32, #tpu.memory_space<vmem>>, vector<16xf32>,
          %select_n3A_474 = arith.select %and3A_365, %get3A_473, %broadcast_in_dim3A_47 : vector<16xi1>, vector<16xf32>
          %max3A_475 = arith.maximumf %while3A_347, %select_n3A_474 : vector<16xf32>
          %add3A_476 = arith.constant 8576 : i32
          %add3A_477 = arith.addi %add3A_476, %add3A_410 : i32
          %get3A_478 = arith.index_cast %add3A_477 : i32 to index
          %get3A_479 = tpu.vector_load %arg6[%get3A_478] {strides = array<i32>} : memref<16384xf32, #tpu.memory_space<vmem>>, vector<16xf32>,
          %select_n3A_480 = arith.select %and3A_365, %get3A_479, %broadcast_in_dim3A_47 : vector<16xi1>, vector<16xf32>
          %max3A_481 = arith.maximumf %while3A_348, %select_n3A_480 : vector<16xf32>
          %add3A_482 = arith.constant 8704 : i32
          %add3A_483 = arith.addi %add3A_482, %add3A_410 : i32
          %get3A_484 = arith.index_cast %add3A_483 : i32 to index
          %get3A_485 = tpu.vector_load %arg6[%get3A_484] {strides = array<i32>} : memref<16384xf32, #tpu.memory_space<vmem>>, vector<16xf32>,
          %select_n3A_486 = arith.select %and3A_365, %get3A_485, %broadcast_in_dim3A_47 : vector<16xi1>, vector<16xf32>
          %max3A_487 = arith.maximumf %while3A_349, %select_n3A_486 : vector<16xf32>
          %add3A_488 = arith.constant 8832 : i32
          %add3A_489 = arith.addi %add3A_488, %add3A_410 : i32
          %get3A_490 = arith.index_cast %add3A_489 : i32 to index
          %get3A_491 = tpu.vector_load %arg6[%get3A_490] {strides = array<i32>} : memref<16384xf32, #tpu.memory_space<vmem>>, vector<16xf32>,
          %select_n3A_492 = arith.select %and3A_365, %get3A_491, %broadcast_in_dim3A_47 : vector<16xi1>, vector<16xf32>
          %max3A_493 = arith.maximumf %while3A_350, %select_n3A_492 : vector<16xf32>
          %add3A_494 = arith.constant 8960 : i32
          %add3A_495 = arith.addi %add3A_494, %add3A_410 : i32
          %get3A_496 = arith.index_cast %add3A_495 : i32 to index
          %get3A_497 = tpu.vector_load %arg6[%get3A_496] {strides = array<i32>} : memref<16384xf32, #tpu.memory_space<vmem>>, vector<16xf32>,
          %select_n3A_498 = arith.select %and3A_365, %get3A_497, %broadcast_in_dim3A_47 : vector<16xi1>, vector<16xf32>
          %max3A_499 = arith.maximumf %while3A_351, %select_n3A_498 : vector<16xf32>
          %add3A_500 = arith.constant 9088 : i32
          %add3A_501 = arith.addi %add3A_500, %add3A_410 : i32
          %get3A_502 = arith.index_cast %add3A_501 : i32 to index
          %get3A_503 = tpu.vector_load %arg6[%get3A_502] {strides = array<i32>} : memref<16384xf32, #tpu.memory_space<vmem>>, vector<16xf32>,
          %select_n3A_504 = arith.select %and3A_365, %get3A_503, %broadcast_in_dim3A_47 : vector<16xi1>, vector<16xf32>
          %max3A_505 = arith.maximumf %while3A_352, %select_n3A_504 : vector<16xf32>
          %mul3A_506 = arith.constant 2 : i32
          %mul3A_507 = arith.muli %while3A_336, %mul3A_506 : i32
          %add3A_508 = arith.addi %select_n3A_131, %mul3A_507 : i32
          %add3A_509 = arith.constant 1 : i32
          %add3A_510 = arith.addi %add3A_508, %add3A_509 : i32
          %mul3A_511 = arith.constant 16 : i32
          %mul3A_512 = arith.muli %add3A_510, %mul3A_511 : i32
          %add3A_513 = vector.broadcast %mul3A_512 : i32 to vector<16xi32>
          %add3A_514 = arith.addi %iota3A, %add3A_513 : vector<16xi32>
          %ge3A_515 = vector.broadcast %scan3A_101 : i32 to vector<16xi32>
          %ge3A_516 = arith.cmpi sge, %add3A_514, %ge3A_515 : vector<16xi32>
          %lt3A_517 = vector.broadcast %reduce_max3A_111 : i32 to vector<16xi32>
          %lt3A_518 = arith.cmpi slt, %add3A_514, %lt3A_517 : vector<16xi32>
          %and3A_519 = arith.andi %ge3A_516, %lt3A_518 : vector<16xi1>
          %jit3A_520 = arith.constant 8 : i32
          %div3A_521 = arith.divsi %add3A_510, %jit3A_520 : i32
          %sign3A_522 = arith.constant 0 : i32
          %sign3A_523 = arith.cmpi sgt, %add3A_510, %sign3A_522 : i32
          %sign3A_524 = arith.extui %sign3A_523 : i1 to i32
          %sign3A_525 = arith.constant 0 : i32
          %sign3A_526 = arith.cmpi slt, %add3A_510, %sign3A_525 : i32
          %sign3A_527 = arith.extui %sign3A_526 : i1 to i32
          %sign3A_528 = arith.subi %sign3A_524, %sign3A_527 : i32
          %sign3A_529 = arith.constant 0 : i32
          %sign3A_530 = arith.cmpi sgt, %jit3A_520, %sign3A_529 : i32
          %sign3A_531 = arith.extui %sign3A_530 : i1 to i32
          %sign3A_532 = arith.constant 0 : i32
          %sign3A_533 = arith.cmpi slt, %jit3A_520, %sign3A_532 : i32
          %sign3A_534 = arith.extui %sign3A_533 : i1 to i32
          %sign3A_535 = arith.subi %sign3A_531, %sign3A_534 : i32
          %ne3A_536 = arith.cmpi ne, %sign3A_528, %sign3A_535 : i32
          %rem3A_537 = arith.remsi %add3A_510, %jit3A_520 : i32
          %ne3A_538 = arith.constant 0 : i32
          %ne3A_539 = arith.cmpi ne, %rem3A_537, %ne3A_538 : i32
          %and3A_540 = arith.andi %ne3A_536, %ne3A_539 : i1
          %sub3A_541 = arith.constant 1 : i32
          %sub3A_542 = arith.subi %div3A_521, %sub3A_541 : i32
          %select_n3A_543 = arith.select %and3A_540, %sub3A_542, %div3A_521 : i32
          %mul3A_544 = arith.constant 1024 : i32
          %mul3A_545 = arith.muli %select_n3A_543, %mul3A_544 : i32
          %jit3A_546 = arith.constant 8 : i32
          %eq3A_547 = arith.constant 0 : i32
          %eq3A_548 = arith.cmpi eq, %jit3A_546, %eq3A_547 : i32
          %jit3A_549 = arith.constant 1 : i32
          %select_n3A_550 = arith.select %eq3A_548, %jit3A_549, %jit3A_546 : i32
          %rem3A_551 = arith.remsi %add3A_510, %select_n3A_550 : i32
          %ne3A_552 = arith.constant 0 : i32
          %ne3A_553 = arith.cmpi ne, %rem3A_551, %ne3A_552 : i32
          %lt3A_554 = arith.constant 0 : i32
          %lt3A_555 = arith.cmpi slt, %rem3A_551, %lt3A_554 : i32
          %lt3A_556 = arith.constant 0 : i32
          %lt3A_557 = arith.cmpi slt, %select_n3A_550, %lt3A_556 : i32
          %ne3A_558 = arith.xori %lt3A_555, %lt3A_557 : i1
          %and3A_559 = arith.andi %ne3A_558, %ne3A_553 : i1
          %add3A_560 = arith.addi %rem3A_551, %select_n3A_550 : i32
          %select_n3A_561 = arith.select %and3A_559, %add3A_560, %rem3A_551 : i32
          %mul3A_562 = arith.constant 16 : i32
          %mul3A_563 = arith.muli %select_n3A_561, %mul3A_562 : i32
          %add3A_564 = arith.addi %mul3A_545, %mul3A_563 : i32
          %add3A_565 = arith.constant 0 : i32
          %add3A_566 = arith.addi %add3A_565, %add3A_564 : i32
          %get3A_567 = arith.index_cast %add3A_566 : i32 to index
          %get3A_568 = tpu.vector_load %arg6[%get3A_567] {strides = array<i32>} : memref<16384xf32, #tpu.memory_space<vmem>>, vector<16xf32>,
          %select_n3A_569 = arith.select %and3A_519, %get3A_568, %broadcast_in_dim3A_47 : vector<16xi1>, vector<16xf32>
          %max3A_570 = arith.maximumf %max3A, %select_n3A_569 : vector<16xf32>
          %add3A_571 = arith.constant 128 : i32
          %add3A_572 = arith.addi %add3A_571, %add3A_564 : i32
          %get3A_573 = arith.index_cast %add3A_572 : i32 to index
          %get3A_574 = tpu.vector_load %arg6[%get3A_573] {strides = array<i32>} : memref<16384xf32, #tpu.memory_space<vmem>>, vector<16xf32>,
          %select_n3A_575 = arith.select %and3A_519, %get3A_574, %broadcast_in_dim3A_47 : vector<16xi1>, vector<16xf32>
          %max3A_576 = arith.maximumf %max3A_421, %select_n3A_575 : vector<16xf32>
          %add3A_577 = arith.constant 256 : i32
          %add3A_578 = arith.addi %add3A_577, %add3A_564 : i32
          %get3A_579 = arith.index_cast %add3A_578 : i32 to index
          %get3A_580 = tpu.vector_load %arg6[%get3A_579] {strides = array<i32>} : memref<16384xf32, #tpu.memory_space<vmem>>, vector<16xf32>,
          %select_n3A_581 = arith.select %and3A_519, %get3A_580, %broadcast_in_dim3A_47 : vector<16xi1>, vector<16xf32>
          %max3A_582 = arith.maximumf %max3A_427, %select_n3A_581 : vector<16xf32>
          %add3A_583 = arith.constant 384 : i32
          %add3A_584 = arith.addi %add3A_583, %add3A_564 : i32
          %get3A_585 = arith.index_cast %add3A_584 : i32 to index
          %get3A_586 = tpu.vector_load %arg6[%get3A_585] {strides = array<i32>} : memref<16384xf32, #tpu.memory_space<vmem>>, vector<16xf32>,
          %select_n3A_587 = arith.select %and3A_519, %get3A_586, %broadcast_in_dim3A_47 : vector<16xi1>, vector<16xf32>
          %max3A_588 = arith.maximumf %max3A_433, %select_n3A_587 : vector<16xf32>
          %add3A_589 = arith.constant 512 : i32
          %add3A_590 = arith.addi %add3A_589, %add3A_564 : i32
          %get3A_591 = arith.index_cast %add3A_590 : i32 to index
          %get3A_592 = tpu.vector_load %arg6[%get3A_591] {strides = array<i32>} : memref<16384xf32, #tpu.memory_space<vmem>>, vector<16xf32>,
          %select_n3A_593 = arith.select %and3A_519, %get3A_592, %broadcast_in_dim3A_47 : vector<16xi1>, vector<16xf32>
          %max3A_594 = arith.maximumf %max3A_439, %select_n3A_593 : vector<16xf32>
          %add3A_595 = arith.constant 640 : i32
          %add3A_596 = arith.addi %add3A_595, %add3A_564 : i32
          %get3A_597 = arith.index_cast %add3A_596 : i32 to index
          %get3A_598 = tpu.vector_load %arg6[%get3A_597] {strides = array<i32>} : memref<16384xf32, #tpu.memory_space<vmem>>, vector<16xf32>,
          %select_n3A_599 = arith.select %and3A_519, %get3A_598, %broadcast_in_dim3A_47 : vector<16xi1>, vector<16xf32>
          %max3A_600 = arith.maximumf %max3A_445, %select_n3A_599 : vector<16xf32>
          %add3A_601 = arith.constant 768 : i32
          %add3A_602 = arith.addi %add3A_601, %add3A_564 : i32
          %get3A_603 = arith.index_cast %add3A_602 : i32 to index
          %get3A_604 = tpu.vector_load %arg6[%get3A_603] {strides = array<i32>} : memref<16384xf32, #tpu.memory_space<vmem>>, vector<16xf32>,
          %select_n3A_605 = arith.select %and3A_519, %get3A_604, %broadcast_in_dim3A_47 : vector<16xi1>, vector<16xf32>
          %max3A_606 = arith.maximumf %max3A_451, %select_n3A_605 : vector<16xf32>
          %add3A_607 = arith.constant 896 : i32
          %add3A_608 = arith.addi %add3A_607, %add3A_564 : i32
          %get3A_609 = arith.index_cast %add3A_608 : i32 to index
          %get3A_610 = tpu.vector_load %arg6[%get3A_609] {strides = array<i32>} : memref<16384xf32, #tpu.memory_space<vmem>>, vector<16xf32>,
          %select_n3A_611 = arith.select %and3A_519, %get3A_610, %broadcast_in_dim3A_47 : vector<16xi1>, vector<16xf32>
          %max3A_612 = arith.maximumf %max3A_457, %select_n3A_611 : vector<16xf32>
          %add3A_613 = arith.constant 8192 : i32
          %add3A_614 = arith.addi %add3A_613, %add3A_564 : i32
          %get3A_615 = arith.index_cast %add3A_614 : i32 to index
          %get3A_616 = tpu.vector_load %arg6[%get3A_615] {strides = array<i32>} : memref<16384xf32, #tpu.memory_space<vmem>>, vector<16xf32>,
          %select_n3A_617 = arith.select %and3A_519, %get3A_616, %broadcast_in_dim3A_47 : vector<16xi1>, vector<16xf32>
          %max3A_618 = arith.maximumf %max3A_463, %select_n3A_617 : vector<16xf32>
          %add3A_619 = arith.constant 8320 : i32
          %add3A_620 = arith.addi %add3A_619, %add3A_564 : i32
          %get3A_621 = arith.index_cast %add3A_620 : i32 to index
          %get3A_622 = tpu.vector_load %arg6[%get3A_621] {strides = array<i32>} : memref<16384xf32, #tpu.memory_space<vmem>>, vector<16xf32>,
          %select_n3A_623 = arith.select %and3A_519, %get3A_622, %broadcast_in_dim3A_47 : vector<16xi1>, vector<16xf32>
          %max3A_624 = arith.maximumf %max3A_469, %select_n3A_623 : vector<16xf32>
          %add3A_625 = arith.constant 8448 : i32
          %add3A_626 = arith.addi %add3A_625, %add3A_564 : i32
          %get3A_627 = arith.index_cast %add3A_626 : i32 to index
          %get3A_628 = tpu.vector_load %arg6[%get3A_627] {strides = array<i32>} : memref<16384xf32, #tpu.memory_space<vmem>>, vector<16xf32>,
          %select_n3A_629 = arith.select %and3A_519, %get3A_628, %broadcast_in_dim3A_47 : vector<16xi1>, vector<16xf32>
          %max3A_630 = arith.maximumf %max3A_475, %select_n3A_629 : vector<16xf32>
          %add3A_631 = arith.constant 8576 : i32
          %add3A_632 = arith.addi %add3A_631, %add3A_564 : i32
          %get3A_633 = arith.index_cast %add3A_632 : i32 to index
          %get3A_634 = tpu.vector_load %arg6[%get3A_633] {strides = array<i32>} : memref<16384xf32, #tpu.memory_space<vmem>>, vector<16xf32>,
          %select_n3A_635 = arith.select %and3A_519, %get3A_634, %broadcast_in_dim3A_47 : vector<16xi1>, vector<16xf32>
          %max3A_636 = arith.maximumf %max3A_481, %select_n3A_635 : vector<16xf32>
          %add3A_637 = arith.constant 8704 : i32
          %add3A_638 = arith.addi %add3A_637, %add3A_564 : i32
          %get3A_639 = arith.index_cast %add3A_638 : i32 to index
          %get3A_640 = tpu.vector_load %arg6[%get3A_639] {strides = array<i32>} : memref<16384xf32, #tpu.memory_space<vmem>>, vector<16xf32>,
          %select_n3A_641 = arith.select %and3A_519, %get3A_640, %broadcast_in_dim3A_47 : vector<16xi1>, vector<16xf32>
          %max3A_642 = arith.maximumf %max3A_487, %select_n3A_641 : vector<16xf32>
          %add3A_643 = arith.constant 8832 : i32
          %add3A_644 = arith.addi %add3A_643, %add3A_564 : i32
          %get3A_645 = arith.index_cast %add3A_644 : i32 to index
          %get3A_646 = tpu.vector_load %arg6[%get3A_645] {strides = array<i32>} : memref<16384xf32, #tpu.memory_space<vmem>>, vector<16xf32>,
          %select_n3A_647 = arith.select %and3A_519, %get3A_646, %broadcast_in_dim3A_47 : vector<16xi1>, vector<16xf32>
          %max3A_648 = arith.maximumf %max3A_493, %select_n3A_647 : vector<16xf32>
          %add3A_649 = arith.constant 8960 : i32
          %add3A_650 = arith.addi %add3A_649, %add3A_564 : i32
          %get3A_651 = arith.index_cast %add3A_650 : i32 to index
          %get3A_652 = tpu.vector_load %arg6[%get3A_651] {strides = array<i32>} : memref<16384xf32, #tpu.memory_space<vmem>>, vector<16xf32>,
          %select_n3A_653 = arith.select %and3A_519, %get3A_652, %broadcast_in_dim3A_47 : vector<16xi1>, vector<16xf32>
          %max3A_654 = arith.maximumf %max3A_499, %select_n3A_653 : vector<16xf32>
          %add3A_655 = arith.constant 9088 : i32
          %add3A_656 = arith.addi %add3A_655, %add3A_564 : i32
          %get3A_657 = arith.index_cast %add3A_656 : i32 to index
          %get3A_658 = tpu.vector_load %arg6[%get3A_657] {strides = array<i32>} : memref<16384xf32, #tpu.memory_space<vmem>>, vector<16xf32>,
          %select_n3A_659 = arith.select %and3A_519, %get3A_658, %broadcast_in_dim3A_47 : vector<16xi1>, vector<16xf32>
          %max3A_660 = arith.maximumf %max3A_505, %select_n3A_659 : vector<16xf32>
          scf.yield %max3A_570, %max3A_576, %max3A_582, %max3A_588, %max3A_594, %max3A_600, %max3A_606, %max3A_612, %max3A_618, %max3A_624, %max3A_630, %max3A_636, %max3A_642, %max3A_648, %max3A_654, %max3A_660 : vector<16xf32>, vector<16xf32>, vector<16xf32>, vector<16xf32>, vector<16xf32>, vector<16xf32>, vector<16xf32>, vector<16xf32>, vector<16xf32>, vector<16xf32>, vector<16xf32>, vector<16xf32>, vector<16xf32>, vector<16xf32>, vector<16xf32>, vector<16xf32>
        }
        %jit3A_197 = arith.constant 8 : i32
        %div3A_198 = arith.divsi %scan3A_100, %jit3A_197 : i32
        %sign3A_199 = arith.constant 0 : i32
        %sign3A_200 = arith.cmpi sgt, %scan3A_100, %sign3A_199 : i32
        %sign3A_201 = arith.extui %sign3A_200 : i1 to i32
        %sign3A_202 = arith.constant 0 : i32
        %sign3A_203 = arith.cmpi slt, %scan3A_100, %sign3A_202 : i32
        %sign3A_204 = arith.extui %sign3A_203 : i1 to i32
        %sign3A_205 = arith.subi %sign3A_201, %sign3A_204 : i32
        %sign3A_206 = arith.constant 0 : i32
        %sign3A_207 = arith.cmpi sgt, %jit3A_197, %sign3A_206 : i32
        %sign3A_208 = arith.extui %sign3A_207 : i1 to i32
        %sign3A_209 = arith.constant 0 : i32
        %sign3A_210 = arith.cmpi slt, %jit3A_197, %sign3A_209 : i32
        %sign3A_211 = arith.extui %sign3A_210 : i1 to i32
        %sign3A_212 = arith.subi %sign3A_208, %sign3A_211 : i32
        %ne3A_213 = arith.cmpi ne, %sign3A_205, %sign3A_212 : i32
        %rem3A_214 = arith.remsi %scan3A_100, %jit3A_197 : i32
        %ne3A_215 = arith.constant 0 : i32
        %ne3A_216 = arith.cmpi ne, %rem3A_214, %ne3A_215 : i32
        %and3A_217 = arith.andi %ne3A_213, %ne3A_216 : i1
        %sub3A_218 = arith.constant 1 : i32
        %sub3A_219 = arith.subi %div3A_198, %sub3A_218 : i32
        %select_n3A_220 = arith.select %and3A_217, %sub3A_219, %div3A_198 : i32
        %mul3A_221 = arith.constant 128 : i32
        %mul3A_222 = arith.muli %select_n3A_220, %mul3A_221 : i32
        %jit3A_223 = arith.constant 8 : i32
        %eq3A_224 = arith.constant 0 : i32
        %eq3A_225 = arith.cmpi eq, %jit3A_223, %eq3A_224 : i32
        %jit3A_226 = arith.constant 1 : i32
        %select_n3A_227 = arith.select %eq3A_225, %jit3A_226, %jit3A_223 : i32
        %rem3A_228 = arith.remsi %scan3A_100, %select_n3A_227 : i32
        %ne3A_229 = arith.constant 0 : i32
        %ne3A_230 = arith.cmpi ne, %rem3A_228, %ne3A_229 : i32
        %lt3A = arith.constant 0 : i32
        %lt3A_231 = arith.cmpi slt, %rem3A_228, %lt3A : i32
        %lt3A_232 = arith.constant 0 : i32
        %lt3A_233 = arith.cmpi slt, %select_n3A_227, %lt3A_232 : i32
        %ne3A_234 = arith.xori %lt3A_231, %lt3A_233 : i1
        %and3A_235 = arith.andi %ne3A_234, %ne3A_230 : i1
        %add3A_236 = arith.addi %rem3A_228, %select_n3A_227 : i32
        %select_n3A_237 = arith.select %and3A_235, %add3A_236, %rem3A_228 : i32
        %mul3A_238 = arith.constant 16 : i32
        %mul3A_239 = arith.muli %select_n3A_237, %mul3A_238 : i32
        %add3A_240 = arith.addi %mul3A_222, %mul3A_239 : i32
        %broadcast_in_dim3A_241 = arith.constant true
        %broadcast_in_dim3A_242 = vector.broadcast %broadcast_in_dim3A_241 : i1 to vector<16xi1>
        %masked_cummax3A = tpu.scan <max>, %while3A_196#0 masked %broadcast_in_dim3A_242 : vector<16xf32>, vector<16xi1> -> vector<16xf32>
        %add3A_243 = arith.constant 0 : i32
        %add3A_244 = arith.addi %add3A_240, %add3A_243 : i32
        %broadcast_in_dim3A_245 = vector.broadcast %add3A_244 : i32 to vector<16xi32>
        tpu.vector_store_idx %arg9[%broadcast_in_dim3A_245], %masked_cummax3A masked %eq3A_49 : memref<256xf32, #tpu.memory_space<vmem>>[vector<16xi32>], vector<16xf32>, vector<16xi1>
        %broadcast_in_dim3A_246 = arith.constant true
        %broadcast_in_dim3A_247 = vector.broadcast %broadcast_in_dim3A_246 : i1 to vector<16xi1>
        %masked_cummax3A_248 = tpu.scan <max>, %while3A_196#1 masked %broadcast_in_dim3A_247 : vector<16xf32>, vector<16xi1> -> vector<16xf32>
        %add3A_249 = arith.constant 1 : i32
        %add3A_250 = arith.addi %add3A_240, %add3A_249 : i32
        %broadcast_in_dim3A_251 = vector.broadcast %add3A_250 : i32 to vector<16xi32>
        tpu.vector_store_idx %arg9[%broadcast_in_dim3A_251], %masked_cummax3A_248 masked %eq3A_49 : memref<256xf32, #tpu.memory_space<vmem>>[vector<16xi32>], vector<16xf32>, vector<16xi1>
        %broadcast_in_dim3A_252 = arith.constant true
        %broadcast_in_dim3A_253 = vector.broadcast %broadcast_in_dim3A_252 : i1 to vector<16xi1>
        %masked_cummax3A_254 = tpu.scan <max>, %while3A_196#2 masked %broadcast_in_dim3A_253 : vector<16xf32>, vector<16xi1> -> vector<16xf32>
        %add3A_255 = arith.constant 2 : i32
        %add3A_256 = arith.addi %add3A_240, %add3A_255 : i32
        %broadcast_in_dim3A_257 = vector.broadcast %add3A_256 : i32 to vector<16xi32>
        tpu.vector_store_idx %arg9[%broadcast_in_dim3A_257], %masked_cummax3A_254 masked %eq3A_49 : memref<256xf32, #tpu.memory_space<vmem>>[vector<16xi32>], vector<16xf32>, vector<16xi1>
        %broadcast_in_dim3A_258 = arith.constant true
        %broadcast_in_dim3A_259 = vector.broadcast %broadcast_in_dim3A_258 : i1 to vector<16xi1>
        %masked_cummax3A_260 = tpu.scan <max>, %while3A_196#3 masked %broadcast_in_dim3A_259 : vector<16xf32>, vector<16xi1> -> vector<16xf32>
        %add3A_261 = arith.constant 3 : i32
        %add3A_262 = arith.addi %add3A_240, %add3A_261 : i32
        %broadcast_in_dim3A_263 = vector.broadcast %add3A_262 : i32 to vector<16xi32>
        tpu.vector_store_idx %arg9[%broadcast_in_dim3A_263], %masked_cummax3A_260 masked %eq3A_49 : memref<256xf32, #tpu.memory_space<vmem>>[vector<16xi32>], vector<16xf32>, vector<16xi1>
        %broadcast_in_dim3A_264 = arith.constant true
        %broadcast_in_dim3A_265 = vector.broadcast %broadcast_in_dim3A_264 : i1 to vector<16xi1>
        %masked_cummax3A_266 = tpu.scan <max>, %while3A_196#4 masked %broadcast_in_dim3A_265 : vector<16xf32>, vector<16xi1> -> vector<16xf32>
        %add3A_267 = arith.constant 4 : i32
        %add3A_268 = arith.addi %add3A_240, %add3A_267 : i32
        %broadcast_in_dim3A_269 = vector.broadcast %add3A_268 : i32 to vector<16xi32>
        tpu.vector_store_idx %arg9[%broadcast_in_dim3A_269], %masked_cummax3A_266 masked %eq3A_49 : memref<256xf32, #tpu.memory_space<vmem>>[vector<16xi32>], vector<16xf32>, vector<16xi1>
        %broadcast_in_dim3A_270 = arith.constant true
        %broadcast_in_dim3A_271 = vector.broadcast %broadcast_in_dim3A_270 : i1 to vector<16xi1>
        %masked_cummax3A_272 = tpu.scan <max>, %while3A_196#5 masked %broadcast_in_dim3A_271 : vector<16xf32>, vector<16xi1> -> vector<16xf32>
        %add3A_273 = arith.constant 5 : i32
        %add3A_274 = arith.addi %add3A_240, %add3A_273 : i32
        %broadcast_in_dim3A_275 = vector.broadcast %add3A_274 : i32 to vector<16xi32>
        tpu.vector_store_idx %arg9[%broadcast_in_dim3A_275], %masked_cummax3A_272 masked %eq3A_49 : memref<256xf32, #tpu.memory_space<vmem>>[vector<16xi32>], vector<16xf32>, vector<16xi1>
        %broadcast_in_dim3A_276 = arith.constant true
        %broadcast_in_dim3A_277 = vector.broadcast %broadcast_in_dim3A_276 : i1 to vector<16xi1>
        %masked_cummax3A_278 = tpu.scan <max>, %while3A_196#6 masked %broadcast_in_dim3A_277 : vector<16xf32>, vector<16xi1> -> vector<16xf32>
        %add3A_279 = arith.constant 6 : i32
        %add3A_280 = arith.addi %add3A_240, %add3A_279 : i32
        %broadcast_in_dim3A_281 = vector.broadcast %add3A_280 : i32 to vector<16xi32>
        tpu.vector_store_idx %arg9[%broadcast_in_dim3A_281], %masked_cummax3A_278 masked %eq3A_49 : memref<256xf32, #tpu.memory_space<vmem>>[vector<16xi32>], vector<16xf32>, vector<16xi1>
        %broadcast_in_dim3A_282 = arith.constant true
        %broadcast_in_dim3A_283 = vector.broadcast %broadcast_in_dim3A_282 : i1 to vector<16xi1>
        %masked_cummax3A_284 = tpu.scan <max>, %while3A_196#7 masked %broadcast_in_dim3A_283 : vector<16xf32>, vector<16xi1> -> vector<16xf32>
        %add3A_285 = arith.constant 7 : i32
        %add3A_286 = arith.addi %add3A_240, %add3A_285 : i32
        %broadcast_in_dim3A_287 = vector.broadcast %add3A_286 : i32 to vector<16xi32>
        tpu.vector_store_idx %arg9[%broadcast_in_dim3A_287], %masked_cummax3A_284 masked %eq3A_49 : memref<256xf32, #tpu.memory_space<vmem>>[vector<16xi32>], vector<16xf32>, vector<16xi1>
        %broadcast_in_dim3A_288 = arith.constant true
        %broadcast_in_dim3A_289 = vector.broadcast %broadcast_in_dim3A_288 : i1 to vector<16xi1>
        %masked_cummax3A_290 = tpu.scan <max>, %while3A_196#8 masked %broadcast_in_dim3A_289 : vector<16xf32>, vector<16xi1> -> vector<16xf32>
        %add3A_291 = arith.constant 8 : i32
        %add3A_292 = arith.addi %add3A_240, %add3A_291 : i32
        %broadcast_in_dim3A_293 = vector.broadcast %add3A_292 : i32 to vector<16xi32>
        tpu.vector_store_idx %arg9[%broadcast_in_dim3A_293], %masked_cummax3A_290 masked %eq3A_49 : memref<256xf32, #tpu.memory_space<vmem>>[vector<16xi32>], vector<16xf32>, vector<16xi1>
        %broadcast_in_dim3A_294 = arith.constant true
        %broadcast_in_dim3A_295 = vector.broadcast %broadcast_in_dim3A_294 : i1 to vector<16xi1>
        %masked_cummax3A_296 = tpu.scan <max>, %while3A_196#9 masked %broadcast_in_dim3A_295 : vector<16xf32>, vector<16xi1> -> vector<16xf32>
        %add3A_297 = arith.constant 9 : i32
        %add3A_298 = arith.addi %add3A_240, %add3A_297 : i32
        %broadcast_in_dim3A_299 = vector.broadcast %add3A_298 : i32 to vector<16xi32>
        tpu.vector_store_idx %arg9[%broadcast_in_dim3A_299], %masked_cummax3A_296 masked %eq3A_49 : memref<256xf32, #tpu.memory_space<vmem>>[vector<16xi32>], vector<16xf32>, vector<16xi1>
        %broadcast_in_dim3A_300 = arith.constant true
        %broadcast_in_dim3A_301 = vector.broadcast %broadcast_in_dim3A_300 : i1 to vector<16xi1>
        %masked_cummax3A_302 = tpu.scan <max>, %while3A_196#10 masked %broadcast_in_dim3A_301 : vector<16xf32>, vector<16xi1> -> vector<16xf32>
        %add3A_303 = arith.constant 10 : i32
        %add3A_304 = arith.addi %add3A_240, %add3A_303 : i32
        %broadcast_in_dim3A_305 = vector.broadcast %add3A_304 : i32 to vector<16xi32>
        tpu.vector_store_idx %arg9[%broadcast_in_dim3A_305], %masked_cummax3A_302 masked %eq3A_49 : memref<256xf32, #tpu.memory_space<vmem>>[vector<16xi32>], vector<16xf32>, vector<16xi1>
        %broadcast_in_dim3A_306 = arith.constant true
        %broadcast_in_dim3A_307 = vector.broadcast %broadcast_in_dim3A_306 : i1 to vector<16xi1>
        %masked_cummax3A_308 = tpu.scan <max>, %while3A_196#11 masked %broadcast_in_dim3A_307 : vector<16xf32>, vector<16xi1> -> vector<16xf32>
        %add3A_309 = arith.constant 11 : i32
        %add3A_310 = arith.addi %add3A_240, %add3A_309 : i32
        %broadcast_in_dim3A_311 = vector.broadcast %add3A_310 : i32 to vector<16xi32>
        tpu.vector_store_idx %arg9[%broadcast_in_dim3A_311], %masked_cummax3A_308 masked %eq3A_49 : memref<256xf32, #tpu.memory_space<vmem>>[vector<16xi32>], vector<16xf32>, vector<16xi1>
        %broadcast_in_dim3A_312 = arith.constant true
        %broadcast_in_dim3A_313 = vector.broadcast %broadcast_in_dim3A_312 : i1 to vector<16xi1>
        %masked_cummax3A_314 = tpu.scan <max>, %while3A_196#12 masked %broadcast_in_dim3A_313 : vector<16xf32>, vector<16xi1> -> vector<16xf32>
        %add3A_315 = arith.constant 12 : i32
        %add3A_316 = arith.addi %add3A_240, %add3A_315 : i32
        %broadcast_in_dim3A_317 = vector.broadcast %add3A_316 : i32 to vector<16xi32>
        tpu.vector_store_idx %arg9[%broadcast_in_dim3A_317], %masked_cummax3A_314 masked %eq3A_49 : memref<256xf32, #tpu.memory_space<vmem>>[vector<16xi32>], vector<16xf32>, vector<16xi1>
        %broadcast_in_dim3A_318 = arith.constant true
        %broadcast_in_dim3A_319 = vector.broadcast %broadcast_in_dim3A_318 : i1 to vector<16xi1>
        %masked_cummax3A_320 = tpu.scan <max>, %while3A_196#13 masked %broadcast_in_dim3A_319 : vector<16xf32>, vector<16xi1> -> vector<16xf32>
        %add3A_321 = arith.constant 13 : i32
        %add3A_322 = arith.addi %add3A_240, %add3A_321 : i32
        %broadcast_in_dim3A_323 = vector.broadcast %add3A_322 : i32 to vector<16xi32>
        tpu.vector_store_idx %arg9[%broadcast_in_dim3A_323], %masked_cummax3A_320 masked %eq3A_49 : memref<256xf32, #tpu.memory_space<vmem>>[vector<16xi32>], vector<16xf32>, vector<16xi1>
        %broadcast_in_dim3A_324 = arith.constant true
        %broadcast_in_dim3A_325 = vector.broadcast %broadcast_in_dim3A_324 : i1 to vector<16xi1>
        %masked_cummax3A_326 = tpu.scan <max>, %while3A_196#14 masked %broadcast_in_dim3A_325 : vector<16xf32>, vector<16xi1> -> vector<16xf32>
        %add3A_327 = arith.constant 14 : i32
        %add3A_328 = arith.addi %add3A_240, %add3A_327 : i32
        %broadcast_in_dim3A_329 = vector.broadcast %add3A_328 : i32 to vector<16xi32>
        tpu.vector_store_idx %arg9[%broadcast_in_dim3A_329], %masked_cummax3A_326 masked %eq3A_49 : memref<256xf32, #tpu.memory_space<vmem>>[vector<16xi32>], vector<16xf32>, vector<16xi1>
        %broadcast_in_dim3A_330 = arith.constant true
        %broadcast_in_dim3A_331 = vector.broadcast %broadcast_in_dim3A_330 : i1 to vector<16xi1>
        %masked_cummax3A_332 = tpu.scan <max>, %while3A_196#15 masked %broadcast_in_dim3A_331 : vector<16xf32>, vector<16xi1> -> vector<16xf32>
        %add3A_333 = arith.constant 15 : i32
        %add3A_334 = arith.addi %add3A_240, %add3A_333 : i32
        %broadcast_in_dim3A_335 = vector.broadcast %add3A_334 : i32 to vector<16xi32>
        tpu.vector_store_idx %arg9[%broadcast_in_dim3A_335], %masked_cummax3A_332 masked %eq3A_49 : memref<256xf32, #tpu.memory_space<vmem>>[vector<16xi32>], vector<16xf32>, vector<16xi1>
      } else {
      }
      scf.yield %reduce_max3A_111 : i32
    }
    %scan3A_63 = arith.constant 16 : i32
    %mul3A_64 = arith.constant 128 : i32
    %mul3A_65 = arith.muli %add3A, %mul3A_64 : i32
    %dma_start3A_66 = arith.constant 0 : i32
    %dma_start3A_67 = tpu.memref_slice %arg9[%dma_start3A_66] : memref<256xf32, #tpu.memory_space<vmem>> -> memref<128xf32, #tpu.memory_space<vmem>>
    %dma_start3A_68 = tpu.memref_slice %arg4[%mul3A_65] : memref<8192xf32, #tpu.memory_space<hbm>> -> memref<128xf32, #tpu.memory_space<hbm>>
    %dma_start3A_69 = tpu.memref_slice %arg4[%mul3A_65] : memref<8192xf32, #tpu.memory_space<hbm>> -> memref<128xf32, #tpu.memory_space<hbm>>
    %dma_start3A_70 = arith.constant 0 : i32
    %dma_start3A_71 = tpu.memref_slice %arg9[%dma_start3A_70] : memref<256xf32, #tpu.memory_space<vmem>> -> memref<128xf32, #tpu.memory_space<vmem>>
    tpu.enqueue_dma source(%dma_start3A_71 : memref<128xf32, #tpu.memory_space<vmem>>) target(%dma_start3A_69 : memref<128xf32, #tpu.memory_space<hbm>>) target_semaphore(%arg10 : memref<!tpu.dma_semaphore, #tpu.memory_space<semaphore_mem>>)
    %mul3A_72 = arith.constant 128 : i32
    %mul3A_73 = arith.muli %add3A, %mul3A_72 : i32
    %add3A_74 = arith.constant 4096 : i32
    %add3A_75 = arith.addi %add3A_74, %mul3A_73 : i32
    %dma_start3A_76 = arith.constant 128 : i32
    %dma_start3A_77 = tpu.memref_slice %arg9[%dma_start3A_76] : memref<256xf32, #tpu.memory_space<vmem>> -> memref<128xf32, #tpu.memory_space<vmem>>
    %dma_start3A_78 = tpu.memref_slice %arg4[%add3A_75] : memref<8192xf32, #tpu.memory_space<hbm>> -> memref<128xf32, #tpu.memory_space<hbm>>
    %dma_start3A_79 = tpu.memref_slice %arg4[%add3A_75] : memref<8192xf32, #tpu.memory_space<hbm>> -> memref<128xf32, #tpu.memory_space<hbm>>
    %dma_start3A_80 = arith.constant 128 : i32
    %dma_start3A_81 = tpu.memref_slice %arg9[%dma_start3A_80] : memref<256xf32, #tpu.memory_space<vmem>> -> memref<128xf32, #tpu.memory_space<vmem>>
    tpu.enqueue_dma source(%dma_start3A_81 : memref<128xf32, #tpu.memory_space<vmem>>) target(%dma_start3A_79 : memref<128xf32, #tpu.memory_space<hbm>>) target_semaphore(%arg10 : memref<!tpu.dma_semaphore, #tpu.memory_space<semaphore_mem>>)
    %mul3A_82 = arith.constant 16 : i32
    %mul3A_83 = arith.muli %add3A, %mul3A_82 : i32
    %dma_start3A_84 = tpu.memref_slice %arg5[%mul3A_83] : memref<512xf32, #tpu.memory_space<hbm>> -> memref<16xf32, #tpu.memory_space<hbm>>
    %dma_start3A_85 = tpu.memref_slice %arg5[%mul3A_83] : memref<512xf32, #tpu.memory_space<hbm>> -> memref<16xf32, #tpu.memory_space<hbm>>
    tpu.enqueue_dma source(%arg8 : memref<16xf32, #tpu.memory_space<vmem>>) target(%dma_start3A_85 : memref<16xf32, #tpu.memory_space<hbm>>) target_semaphore(%arg10 : memref<!tpu.dma_semaphore, #tpu.memory_space<semaphore_mem>>)
    %dma_wait3A_86 = arith.constant 0 : i32
    %dma_wait3A_87 = tpu.memref_slice %arg9[%dma_wait3A_86] : memref<256xf32, #tpu.memory_space<vmem>> -> memref<128xf32, #tpu.memory_space<vmem>>
    %dma_wait3A_88 = tpu.memref_slice %arg4[%mul3A_65] : memref<8192xf32, #tpu.memory_space<hbm>> -> memref<128xf32, #tpu.memory_space<hbm>>
    %dma_wait3A_89 = tpu.memref_slice %arg4[%mul3A_65] : memref<8192xf32, #tpu.memory_space<hbm>> -> memref<128xf32, #tpu.memory_space<hbm>>
    %dma_wait3A_90 = arith.constant 0 : i32
    %dma_wait3A_91 = tpu.memref_slice %arg9[%dma_wait3A_90] : memref<256xf32, #tpu.memory_space<vmem>> -> memref<128xf32, #tpu.memory_space<vmem>>
    tpu.wait_dma2 semaphore(%arg10 : memref<!tpu.dma_semaphore, #tpu.memory_space<semaphore_mem>>) src(%dma_wait3A_91 : memref<128xf32, #tpu.memory_space<vmem>>) dst(%dma_wait3A_89 : memref<128xf32, #tpu.memory_space<hbm>>)
    %dma_wait3A_92 = arith.constant 128 : i32
    %dma_wait3A_93 = tpu.memref_slice %arg9[%dma_wait3A_92] : memref<256xf32, #tpu.memory_space<vmem>> -> memref<128xf32, #tpu.memory_space<vmem>>
    %dma_wait3A_94 = tpu.memref_slice %arg4[%add3A_75] : memref<8192xf32, #tpu.memory_space<hbm>> -> memref<128xf32, #tpu.memory_space<hbm>>
    %dma_wait3A_95 = tpu.memref_slice %arg4[%add3A_75] : memref<8192xf32, #tpu.memory_space<hbm>> -> memref<128xf32, #tpu.memory_space<hbm>>
    %dma_wait3A_96 = arith.constant 128 : i32
    %dma_wait3A_97 = tpu.memref_slice %arg9[%dma_wait3A_96] : memref<256xf32, #tpu.memory_space<vmem>> -> memref<128xf32, #tpu.memory_space<vmem>>
    tpu.wait_dma2 semaphore(%arg10 : memref<!tpu.dma_semaphore, #tpu.memory_space<semaphore_mem>>) src(%dma_wait3A_97 : memref<128xf32, #tpu.memory_space<vmem>>) dst(%dma_wait3A_95 : memref<128xf32, #tpu.memory_space<hbm>>)
    %dma_wait3A_98 = tpu.memref_slice %arg5[%mul3A_83] : memref<512xf32, #tpu.memory_space<hbm>> -> memref<16xf32, #tpu.memory_space<hbm>>
    %dma_wait3A_99 = tpu.memref_slice %arg5[%mul3A_83] : memref<512xf32, #tpu.memory_space<hbm>> -> memref<16xf32, #tpu.memory_space<hbm>>
    tpu.wait_dma2 semaphore(%arg10 : memref<!tpu.dma_semaphore, #tpu.memory_space<semaphore_mem>>) src(%arg8 : memref<16xf32, #tpu.memory_space<vmem>>) dst(%dma_wait3A_99 : memref<16xf32, #tpu.memory_space<hbm>>)
    return
  }
}

module attributes {stable_mosaic.version = 14 : i64} {
  func.func @_mlp_body(%arg0: i32, %arg1: memref<4x16384xf32, #tpu.memory_space<vmem>>, %arg2: memref<4x64xf32, #tpu.memory_space<vmem>>, %arg3: memref<1x64xf32, #tpu.memory_space<vmem>>, %arg4: memref<16x64xf32, #tpu.memory_space<vmem>>, %arg5: memref<1x16xf32, #tpu.memory_space<vmem>>, %arg6: memref<16x16384xf32, #tpu.memory_space<vmem>>) attributes {dimension_semantics = [#tpu.dimension_semantics<arbitrary>], iteration_bounds = array<i64: 2>, scalar_prefetch = 0 : i64, scratch_operands = 0 : i64, tpu.core_type = #tpu.core_type<tc>, window_params = [{transform_indices = @transform_0, window_bounds = array<i64: 4, 16384>}, {pipeline_mode = #tpu.pipeline_mode<synchronous>, transform_indices = @transform_1, window_bounds = array<i64: 4, 64>}, {pipeline_mode = #tpu.pipeline_mode<synchronous>, transform_indices = @transform_2, window_bounds = array<i64: 1, 64>}, {pipeline_mode = #tpu.pipeline_mode<synchronous>, transform_indices = @transform_3, window_bounds = array<i64: 16, 64>}, {pipeline_mode = #tpu.pipeline_mode<synchronous>, transform_indices = @transform_4, window_bounds = array<i64: 1, 16>}, {transform_indices = @transform_5, window_bounds = array<i64: 16, 16384>}]} {
    %get3A = arith.constant 0 : index
    %get3A_0 = arith.constant 0 : index
    %get3A_1 = vector.load %arg1[%get3A, %get3A_0] : memref<4x16384xf32, #tpu.memory_space<vmem>>, vector<4x16384xf32>
    %get3A_2 = arith.constant 0 : index
    %get3A_3 = arith.constant 0 : index
    %get3A_4 = vector.load %arg2[%get3A_2, %get3A_3] : memref<4x64xf32, #tpu.memory_space<vmem>>, vector<4x64xf32>
    %dot_general3A = arith.constant dense<0.000000e+00> : vector<64x16384xf32>
    %dot_general3A_5 = tpu.matmul %get3A_4, %get3A_1, %dot_general3A {dimension_numbers = #tpu.dot_dimension_numbers<[0], [0], [1], [1], [0, 1, 1, 1], [], []>, transpose_lhs_hint = false} : vector<4x64xf32>, vector<4x16384xf32>, vector<64x16384xf32> -> vector<64x16384xf32>
    %get3A_6 = arith.constant 0 : index
    %get3A_7 = arith.constant 0 : index
    %get3A_8 = vector.load %arg3[%get3A_6, %get3A_7] : memref<1x64xf32, #tpu.memory_space<vmem>>, vector<1x64xf32>
    %transpose3A = tpu.transpose %get3A_8, [1, 0] : vector<1x64xf32> -> vector<64x1xf32>
    %add3A = vector.broadcast %transpose3A : vector<64x1xf32> to vector<64x16384xf32>
    %add3A_9 = arith.addf %dot_general3A_5, %add3A : vector<64x16384xf32>
    %max3A = arith.constant 0.000000e+00 : f32
    %max3A_10 = vector.broadcast %max3A : f32 to vector<64x16384xf32>
    %max3A_11 = arith.maximumf %add3A_9, %max3A_10 : vector<64x16384xf32>
    %get3A_12 = arith.constant 0 : index
    %get3A_13 = arith.constant 0 : index
    %get3A_14 = vector.load %arg4[%get3A_12, %get3A_13] : memref<16x64xf32, #tpu.memory_space<vmem>>, vector<16x64xf32>
    %dot_general3A_15 = arith.constant dense<0.000000e+00> : vector<16x16384xf32>
    %dot_general3A_16 = tpu.matmul %get3A_14, %max3A_11, %dot_general3A_15 {dimension_numbers = #tpu.dot_dimension_numbers<[1], [0], [0], [1], [0, 0, 1, 1], [], []>, transpose_lhs_hint = false} : vector<16x64xf32>, vector<64x16384xf32>, vector<16x16384xf32> -> vector<16x16384xf32>
    %get3A_17 = arith.constant 0 : index
    %get3A_18 = arith.constant 0 : index
    %get3A_19 = vector.load %arg5[%get3A_17, %get3A_18] : memref<1x16xf32, #tpu.memory_space<vmem>>, vector<1x16xf32>
    %transpose3A_20 = tpu.transpose %get3A_19, [1, 0] : vector<1x16xf32> -> vector<16x1xf32>
    %add3A_21 = vector.broadcast %transpose3A_20 : vector<16x1xf32> to vector<16x16384xf32>
    %add3A_22 = arith.addf %dot_general3A_16, %add3A_21 : vector<16x16384xf32>
    %swap3A = arith.constant 0 : index
    %swap3A_23 = arith.constant 0 : index
    %swap3A_24 = vector.load %arg6[%swap3A, %swap3A_23] : memref<16x16384xf32, #tpu.memory_space<vmem>>, vector<16x16384xf32>
    tpu.vector_store %arg6[%swap3A, %swap3A_23], %add3A_22 {strides = array<i32>} : memref<16x16384xf32, #tpu.memory_space<vmem>>, vector<16x16384xf32>,
    return
  }
  func.func @transform_0(%arg0: i32) -> (i32, i32) {
    %c0_i32 = arith.constant 0 : i32
    %c0_i32_0 = arith.constant 0 : i32
    return %c0_i32, %arg0 : i32, i32
  }
  func.func @transform_1(%arg0: i32) -> (i32, i32) {
    %c0_i32 = arith.constant 0 : i32
    %c0_i32_0 = arith.constant 0 : i32
    %c0_i32_1 = arith.constant 0 : i32
    return %c0_i32, %c0_i32_0 : i32, i32
  }
  func.func @transform_2(%arg0: i32) -> (i32, i32) {
    %c0_i32 = arith.constant 0 : i32
    %c0_i32_0 = arith.constant 0 : i32
    %c0_i32_1 = arith.constant 0 : i32
    return %c0_i32, %c0_i32_0 : i32, i32
  }
  func.func @transform_3(%arg0: i32) -> (i32, i32) {
    %c0_i32 = arith.constant 0 : i32
    %c0_i32_0 = arith.constant 0 : i32
    %c0_i32_1 = arith.constant 0 : i32
    return %c0_i32, %c0_i32_0 : i32, i32
  }
  func.func @transform_4(%arg0: i32) -> (i32, i32) {
    %c0_i32 = arith.constant 0 : i32
    %c0_i32_0 = arith.constant 0 : i32
    %c0_i32_1 = arith.constant 0 : i32
    return %c0_i32, %c0_i32_0 : i32, i32
  }
  func.func @transform_5(%arg0: i32) -> (i32, i32) {
    %c0_i32 = arith.constant 0 : i32
    %c0_i32_0 = arith.constant 0 : i32
    return %c0_i32, %arg0 : i32, i32
  }
}

module attributes {stable_mosaic.version = 14 : i64} {
  func.func @_finalize_body(%arg0: memref<64x128xf32, #tpu.memory_space<vmem>>, %arg1: memref<4x128xf32, #tpu.memory_space<vmem>>, %arg2: memref<16x16xf32, #tpu.memory_space<vmem>>) attributes {dimension_semantics = [], scalar_prefetch = 0 : i64, scratch_operands = 0 : i64, tpu.core_type = #tpu.core_type<tc>} {
    %get3A = arith.constant 0 : index
    %get3A_0 = arith.constant 0 : index
    %get3A_1 = vector.load %arg0[%get3A, %get3A_0] : memref<64x128xf32, #tpu.memory_space<vmem>>, vector<64x128xf32>
    %slice3A = vector.extract_strided_slice %get3A_1 {offsets = [0, 0], sizes = [32, 128], strides = [1, 1]} : vector<64x128xf32> to vector<32x128xf32>
    %reduce_max3A = arith.constant dense<0xFF800000> : vector<128xf32>
    %reduce_max3A_2 = vector.multi_reduction <maximumf>, %slice3A, %reduce_max3A [0] : vector<32x128xf32> to vector<128xf32>
    %broadcast_in_dim3A = vector.shape_cast %reduce_max3A_2 : vector<128xf32> to vector<1x128xf32>
    %slice3A_3 = vector.extract_strided_slice %get3A_1 {offsets = [32, 0], sizes = [32, 128], strides = [1, 1]} : vector<64x128xf32> to vector<32x128xf32>
    %reduce_max3A_4 = arith.constant dense<0xFF800000> : vector<128xf32>
    %reduce_max3A_5 = vector.multi_reduction <maximumf>, %slice3A_3, %reduce_max3A_4 [0] : vector<32x128xf32> to vector<128xf32>
    %broadcast_in_dim3A_6 = vector.shape_cast %reduce_max3A_5 : vector<128xf32> to vector<1x128xf32>
    %slice3A_7 = vector.extract_strided_slice %broadcast_in_dim3A {offsets = [0, 0], sizes = [1, 16], strides = [1, 1]} : vector<1x128xf32> to vector<1x16xf32>
    %slice3A_8 = vector.extract_strided_slice %broadcast_in_dim3A {offsets = [0, 16], sizes = [1, 16], strides = [1, 1]} : vector<1x128xf32> to vector<1x16xf32>
    %slice3A_9 = vector.extract_strided_slice %broadcast_in_dim3A {offsets = [0, 32], sizes = [1, 16], strides = [1, 1]} : vector<1x128xf32> to vector<1x16xf32>
    %slice3A_10 = vector.extract_strided_slice %broadcast_in_dim3A {offsets = [0, 48], sizes = [1, 16], strides = [1, 1]} : vector<1x128xf32> to vector<1x16xf32>
    %slice3A_11 = vector.extract_strided_slice %broadcast_in_dim3A {offsets = [0, 64], sizes = [1, 16], strides = [1, 1]} : vector<1x128xf32> to vector<1x16xf32>
    %slice3A_12 = vector.extract_strided_slice %broadcast_in_dim3A {offsets = [0, 80], sizes = [1, 16], strides = [1, 1]} : vector<1x128xf32> to vector<1x16xf32>
    %slice3A_13 = vector.extract_strided_slice %broadcast_in_dim3A {offsets = [0, 96], sizes = [1, 16], strides = [1, 1]} : vector<1x128xf32> to vector<1x16xf32>
    %slice3A_14 = vector.extract_strided_slice %broadcast_in_dim3A {offsets = [0, 112], sizes = [1, 16], strides = [1, 1]} : vector<1x128xf32> to vector<1x16xf32>
    %slice3A_15 = vector.extract_strided_slice %broadcast_in_dim3A_6 {offsets = [0, 0], sizes = [1, 16], strides = [1, 1]} : vector<1x128xf32> to vector<1x16xf32>
    %slice3A_16 = vector.extract_strided_slice %broadcast_in_dim3A_6 {offsets = [0, 16], sizes = [1, 16], strides = [1, 1]} : vector<1x128xf32> to vector<1x16xf32>
    %slice3A_17 = vector.extract_strided_slice %broadcast_in_dim3A_6 {offsets = [0, 32], sizes = [1, 16], strides = [1, 1]} : vector<1x128xf32> to vector<1x16xf32>
    %slice3A_18 = vector.extract_strided_slice %broadcast_in_dim3A_6 {offsets = [0, 48], sizes = [1, 16], strides = [1, 1]} : vector<1x128xf32> to vector<1x16xf32>
    %slice3A_19 = vector.extract_strided_slice %broadcast_in_dim3A_6 {offsets = [0, 64], sizes = [1, 16], strides = [1, 1]} : vector<1x128xf32> to vector<1x16xf32>
    %slice3A_20 = vector.extract_strided_slice %broadcast_in_dim3A_6 {offsets = [0, 80], sizes = [1, 16], strides = [1, 1]} : vector<1x128xf32> to vector<1x16xf32>
    %slice3A_21 = vector.extract_strided_slice %broadcast_in_dim3A_6 {offsets = [0, 96], sizes = [1, 16], strides = [1, 1]} : vector<1x128xf32> to vector<1x16xf32>
    %slice3A_22 = vector.extract_strided_slice %broadcast_in_dim3A_6 {offsets = [0, 112], sizes = [1, 16], strides = [1, 1]} : vector<1x128xf32> to vector<1x16xf32>
    %concatenate3A = tpu.concatenate %slice3A_7, %slice3A_8, %slice3A_9, %slice3A_10, %slice3A_11, %slice3A_12, %slice3A_13, %slice3A_14, %slice3A_15, %slice3A_16, %slice3A_17, %slice3A_18, %slice3A_19, %slice3A_20, %slice3A_21, %slice3A_22 in 0 : vector<1x16xf32>, vector<1x16xf32>, vector<1x16xf32>, vector<1x16xf32>, vector<1x16xf32>, vector<1x16xf32>, vector<1x16xf32>, vector<1x16xf32>, vector<1x16xf32>, vector<1x16xf32>, vector<1x16xf32>, vector<1x16xf32>, vector<1x16xf32>, vector<1x16xf32>, vector<1x16xf32>, vector<1x16xf32> -> vector<16x16xf32>
    %get3A_23 = arith.constant 0 : index
    %get3A_24 = arith.constant 0 : index
    %get3A_25 = vector.load %arg1[%get3A_23, %get3A_24] : memref<4x128xf32, #tpu.memory_space<vmem>>, vector<4x128xf32>
    %reduce_sum3A = arith.constant dense<0.000000e+00> : vector<128xf32>
    %reduce_sum3A_26 = vector.multi_reduction <add>, %get3A_25, %reduce_sum3A [0] : vector<4x128xf32> to vector<128xf32>
    %broadcast_in_dim3A_27 = vector.shape_cast %reduce_sum3A_26 : vector<128xf32> to vector<1x128xf32>
    %slice3A_28 = vector.extract_strided_slice %broadcast_in_dim3A_27 {offsets = [0, 0], sizes = [1, 64], strides = [1, 1]} : vector<1x128xf32> to vector<1x64xf32>
    %slice3A_29 = vector.extract_strided_slice %broadcast_in_dim3A_27 {offsets = [0, 64], sizes = [1, 64], strides = [1, 1]} : vector<1x128xf32> to vector<1x64xf32>
    %add3A = arith.addf %slice3A_28, %slice3A_29 : vector<1x64xf32>
    %slice3A_30 = vector.extract_strided_slice %add3A {offsets = [0, 0], sizes = [1, 32], strides = [1, 1]} : vector<1x64xf32> to vector<1x32xf32>
    %slice3A_31 = vector.extract_strided_slice %add3A {offsets = [0, 32], sizes = [1, 32], strides = [1, 1]} : vector<1x64xf32> to vector<1x32xf32>
    %add3A_32 = arith.addf %slice3A_30, %slice3A_31 : vector<1x32xf32>
    %slice3A_33 = vector.extract_strided_slice %add3A_32 {offsets = [0, 0], sizes = [1, 16], strides = [1, 1]} : vector<1x32xf32> to vector<1x16xf32>
    %slice3A_34 = vector.extract_strided_slice %add3A_32 {offsets = [0, 16], sizes = [1, 16], strides = [1, 1]} : vector<1x32xf32> to vector<1x16xf32>
    %add3A_35 = arith.addf %slice3A_33, %slice3A_34 : vector<1x16xf32>
    %transpose3A = tpu.transpose %add3A_35, [1, 0] : vector<1x16xf32> -> vector<16x1xf32>
    %reduce_max3A_36 = vector.shape_cast %add3A_35 : vector<1x16xf32> to vector<1x1x16xf32>
    %reduce_max3A_37 = arith.constant dense<0xFF800000> : vector<1xf32>
    %reduce_max3A_38 = vector.multi_reduction <maximumf>, %reduce_max3A_36, %reduce_max3A_37 [1, 2] : vector<1x1x16xf32> to vector<1xf32>
    %reduce_max3A_39 = vector.shape_cast %reduce_max3A_38 : vector<1xf32> to vector<1x1x1xf32>
    %reduce_max3A_40 = vector.extract %reduce_max3A_39[0, 0, 0] : f32 from vector<1x1x1xf32>
    %lt3A = vector.broadcast %reduce_max3A_40 : f32 to vector<16x1xf32>
    %lt3A_41 = arith.cmpf olt, %transpose3A, %lt3A : vector<16x1xf32>
    %max3A = arith.constant 0.000000e+00 : f32
    %max3A_42 = vector.broadcast %max3A : f32 to vector<16x16xf32>
    %max3A_43 = arith.maximumf %concatenate3A, %max3A_42 : vector<16x16xf32>
    %broadcast_in_dim3A_44 = vector.shape_cast %lt3A_41 : vector<16x1xi1> to vector<16x1xi1>
    %broadcast_in_dim3A_45 = vector.broadcast %broadcast_in_dim3A_44 : vector<16x1xi1> to vector<16x16xi1>
    %select_n3A = arith.select %broadcast_in_dim3A_45, %max3A_43, %concatenate3A : vector<16x16xi1>, vector<16x16xf32>
    %mul3A = arith.mulf %select_n3A, %select_n3A : vector<16x16xf32>
    %reduce_sum3A_46 = arith.constant dense<0.000000e+00> : vector<16xf32>
    %reduce_sum3A_47 = vector.multi_reduction <add>, %mul3A, %reduce_sum3A_46 [1] : vector<16x16xf32> to vector<16xf32>
    %broadcast_in_dim3A_48 = vector.shape_cast %reduce_sum3A_47 : vector<16xf32> to vector<16x1xf32>
    %sqrt3A = math.sqrt %broadcast_in_dim3A_48 : vector<16x1xf32>
    %max3A_49 = arith.constant 9.99999996E-13 : f32
    %max3A_50 = vector.broadcast %max3A_49 : f32 to vector<16x1xf32>
    %max3A_51 = arith.maximumf %sqrt3A, %max3A_50 : vector<16x1xf32>
    %div3A = vector.broadcast %max3A_51 : vector<16x1xf32> to vector<16x16xf32>
    %div3A_52 = arith.divf %select_n3A, %div3A : vector<16x16xf32>
    %swap3A = arith.constant 0 : index
    %swap3A_53 = arith.constant 0 : index
    %swap3A_54 = vector.load %arg2[%swap3A, %swap3A_53] : memref<16x16xf32, #tpu.memory_space<vmem>>, vector<16x16xf32>
    tpu.vector_store %arg2[%swap3A, %swap3A_53], %div3A_52 {strides = array<i32>} : memref<16x16xf32, #tpu.memory_space<vmem>>, vector<16x16xf32>,
    return
  }
}

</mosaic_0001>

<sc_bundles>
// kernel: kernel.5.cloned.1.call-start
scs
__scs_entry_jumppad:
0x0: {  	(pc) =	sbr.rel $0x88, $3  }
0x1: {  	(tag) =	ssettag $0x0;
	lr =	simm.s32 $0x1  }
0x2: {  	[smem:$0x3F9B] =	sst lr;
	_ =	strace $0xD0000000  }
0x3: {  	_ = 	snop  }
0x4: {  	_ = 	snop  }
0x5: {  	_ = 	snop  }
0x6: {  	_ = 	snop  }
0x7: {  	_ = 	snop  }
__scs_overlays_trampoline_lowered:
0x8: {  	[smem:$0x3FAA] =	sst s0  }
0x9: {  	[smem:$0x3FAB] =	sst s1  }
0xa: {  	[smem:$0x3FAC] =	sst s2  }
0xb: {  	[smem:$0x3FAD] =	sst s3  }
0xc: {  	[smem:$0x3FAE] =	sst s4  }
0xd: {  	[smem:$0x3FAF] =	sst s5  }
0xe: {  	[smem:$0x3FB0] =	sst s6  }
0xf: {  	[smem:$0x3FB1] =	sst s7  }
0x10: {  	[smem:$0x3FB2] =	sst s8  }
0x11: {  	[smem:$0x3FB3] =	sst s9;
	s0 =	simm.s32 @!p0 $0x0  }
0x12: {  	s1 =	sld [smem:$0x3F99];
	s0 =	simm.s32 @p0 $0x1  }
0x13: {  	[smem:$0x3FB4] =	sst s0;
	s0 =	simm.s32 @!p1 $0x0  }
0x14: {  	s2 =	sld [smem:$0x3F98];
	s0 =	simm.s32 @p1 $0x1  }
0x15: {  	[smem:$0x3FB5] =	sst s0;
	s0 =	simm.s32 @!p2 $0x0  }
0x16: {  	s3 =	sld [smem:$0x3FDB];
	s0 =	simm.s32 @p2 $0x1  }
0x17: {  	s4 =	simm.s32 $0x1BF5;
	[smem:$0x3FB7] =	sst s0  }
0x18: {  	s0 =	sld [smem:$0x3F9A];
	_ =	swait.ge [sflag:s4], $0x0  }
0x19: {  	s7 =	sld [smem:$0x3F9B]  }
0x1a: {  	s8 =	sadd.s32 $0xFFFFE003, lr  }
0x1b: {  	s9 =	sadd.s32 $0xFFFFFEF7, lr;
	s5 =	simm.s32 $0xFFFFFFFF;
	p2 =	slt.u32 s8, $0xFFFFF086  }
0x1c: {  	p1 =	slt.u32 s9, $0xF7A;
	s5 =	simm.s32 @!p2 $0x0  }
0x1d: {  	s5 =	simm.s32 @p1 $0x1;
	p0 =	seq.s32 s7, s2  }
0x1e: {  	s7 =	smul.u32 @!p0 $0xF7A, s2;
	p2 =	seq.s32 @!p0 s5, $0x0  }
0x1f: {  	s9 =	smul.u32 $0xF7A, s1;
	s8 =	simm.s32 @!p0 $0x1BF5;
	p2 =	por !p2, p0  }
0x20: {  	[sflag:s8] =	ssyncset.s32 @!p0 $0xFFFFF086;
	s6 =	sadd.s32 @!p0 s3, s7;
	s7 =	simm.s32 @!p0 $0x108  }
0x21: {  	s3 =	sadd.s32 s3, s9;
	s6 =	sadd.s32 @!p0 $0x88, s6;
	s7 =	simm.s32 @p2 $0x1082  }
0x22: {  	[simem:s7], [sflag:s8] =	dma.local @!p0 [hbm:s6], $0xF7A  }
0x23: {  	s9 =	sor.u32 $0xD0000000, s2;
	s6 =	simm.s32 $0x108;
	_ =	swait.ge @!p0 [sflag:s8], $0x0  }
0x24: {  	s3 =	sadd.s32 $0x88, s3;
	s6 =	simm.s32 @!p1 $0x1082;
	[sflag:s4] =	ssyncset.s32 $0xFFFFF086  }
0x25: {  	[simem:s6], [sflag:s4] =	dma.local [hbm:s3], $0xF7A  }
0x26: {  	[smem:$0x3F9B] =	sst s1;
	(tag) =	ssettag s2;
	_ =	strace s9  }
0x27: {  	s1 =	sld [smem:$0x3FAB]  }
0x28: {  	s2 =	sld [smem:$0x3FAC]  }
0x29: {  	s4 =	sld [smem:$0x3FAE]  }
0x2a: {  	p0 =	seq.s32 s5, $0x0;
	s5 =	sld [smem:$0x3FAF]  }
0x2b: {  	s6 =	sld [smem:$0x3FB0]  }
0x2c: {  	s7 =	sld [smem:$0x3FB1]  }
0x2d: {  	s3 =	simm.s32 $0x108;
	s8 =	sld [smem:$0x3FB2]  }
0x2e: {  	s3 =	simm.s32 @!p0 $0x1082;
	s9 =	sld [smem:$0x3FB3]  }
0x2f: {  	lr =	sadd.s32 s0, s3;
	s0 =	sld [smem:$0x3FAA]  }
0x30: {  	s3 =	sld [smem:$0x3FAD]  }
0x31: {  	[smem:$0x3FB6] =	sst s10  }
0x32: {  	s10 =	sld [smem:$0x3FB4];
	_ =	sdelay $0x3  }
0x33: {  	p0 =	seq.s32 s10, $0x1;
	s10 =	sld [smem:$0x3FB6];
	_ =	sdelay $0x3  }
0x34: {  	[smem:$0x3FB6] =	sst s10  }
0x35: {  	s10 =	sld [smem:$0x3FB5];
	_ =	sdelay $0x3  }
0x36: {  	p1 =	seq.s32 s10, $0x1;
	s10 =	sld [smem:$0x3FB6];
	_ =	sdelay $0x3  }
0x37: {  	[smem:$0x3FB6] =	sst s10  }
0x38: {  	s10 =	sld [smem:$0x3FB7]  }
0x39: {  	_ = 	snop;
	(pc) =	sbr.ind lr, $3  }
0x3a: {  	_ = 	snop  }
0x3b: {  	_ = 	snop  }
0x3c: {  	p2 =	seq.s32 s10, $0x1;
	s10 =	sld [smem:$0x3FB6]  }
0x3d: {  	_ =	shalt  }
0x3e: {  	_ =	shalt  }
0x3f: {  	_ =	shalt  }
0x40: {  	_ =	shalt  }
0x41: {  	_ =	shalt  }
0x42: {  	_ =	shalt  }
0x43: {  	_ =	shalt  }
0x44: {  	_ =	shalt  }
0x45: {  	_ =	shalt  }
0x46: {  	_ =	shalt  }
0x47: {  	_ =	shalt  }
0x48: {  	_ =	shalt  }
0x49: {  	_ =	shalt  }
0x4a: {  	_ =	shalt  }
0x4b: {  	_ =	shalt  }
0x4c: {  	_ =	shalt  }
0x4d: {  	_ =	shalt  }
0x4e: {  	_ =	shalt  }
0x4f: {  	_ =	shalt  }
0x50: {  	_ =	shalt  }
0x51: {  	_ =	shalt  }
0x52: {  	_ =	shalt  }
0x53: {  	_ =	shalt  }
0x54: {  	_ =	shalt  }
0x55: {  	_ =	shalt  }
0x56: {  	_ =	shalt  }
0x57: {  	_ =	shalt  }
0x58: {  	_ =	shalt  }
0x59: {  	_ =	shalt  }
0x5a: {  	_ =	shalt  }
0x5b: {  	_ =	shalt  }
0x5c: {  	_ =	shalt  }
0x5d: {  	_ =	shalt  }
0x5e: {  	_ =	shalt  }
0x5f: {  	_ =	shalt  }
0x60: {  	_ =	shalt  }
0x61: {  	_ =	shalt  }
0x62: {  	_ =	shalt  }
0x63: {  	_ =	shalt  }
0x64: {  	_ =	shalt  }
0x65: {  	_ =	shalt  }
0x66: {  	_ =	shalt  }
0x67: {  	_ =	shalt  }
0x68: {  	_ =	shalt  }
0x69: {  	_ =	shalt  }
0x6a: {  	_ =	shalt  }
0x6b: {  	_ =	shalt  }
0x6c: {  	_ =	shalt  }
0x6d: {  	_ =	shalt  }
0x6e: {  	_ =	shalt  }
0x6f: {  	_ =	shalt  }
0x70: {  	_ =	shalt  }
0x71: {  	_ =	shalt  }
0x72: {  	_ =	shalt  }
0x73: {  	_ =	shalt  }
0x74: {  	_ =	shalt  }
0x75: {  	_ =	shalt  }
0x76: {  	_ =	shalt  }
0x77: {  	_ =	shalt  }
0x78: {  	_ =	shalt  }
0x79: {  	_ =	shalt  }
0x7a: {  	_ =	shalt  }
0x7b: {  	_ =	shalt  }
0x7c: {  	_ =	shalt  }
0x7d: {  	_ =	shalt  }
0x7e: {  	_ =	shalt  }
0x7f: {  	_ =	shalt  }
0x80: {  	_ =	shalt  }
0x81: {  	_ =	shalt  }
0x82: {  	_ =	shalt  }
0x83: {  	_ =	shalt  }
0x84: {  	_ =	shalt  }
0x85: {  	_ =	shalt  }
0x86: {  	_ =	shalt  }
0x87: {  	_ =	shalt  }
.Lfunc_end0:
.L_simem_size_0:
called_computation_lowered:
.L_overlay_start_0:
0x88: {  	s2 =	sld [smem:$0x3FD9]  }
0x89: {  	s3 =	sld [smem:$0x3FFE];
	_ =	sdelay $0x1  }
0x8a: {  	s1 =	srdreg.scid  }
0x8b: {  	s0 =	sand.u32 $0x1, s1  }
0x8c: {  	s17 =	sshll.u32 s0, $0xA;
	s2 =	sadd.s32 s3, s2  }
0x8d: {  	s2 =	sadd.s32 s2, s17  }
0x8e: {  	[smem:$0x3FC2] =	sst s2  }
0x8f: {  	_ = 	snop  }
0x90: {  	s2 =	sld [smem:$0x3FC8]  }
0x91: {  	s18 =	sld [smem:$0x3FD0];
	(tm) =	ssettm $0x1  }
0x92: {  	s4 =	sld [smem:$0x3FFB];
	_ =	sdelay $0x3  }
0x93: {  	_ =	strace s4  }
0x94: {  	s4 =	sld [smem:$0x3FFC];
	_ =	sdelay $0x3  }
0x95: {  	_ =	strace s4  }
0x96: {  	s4 =	sld [smem:$0x3FFD];
	_ =	sdelay $0x3  }
0x97: {  	_ =	strace s4  }
0x98: {  	_ =	strace $0x8FFFFFFF  }
0x99: {  	s19 =	sld [smem:$0x3FDB];
	_ =	sdelay $0x1  }
0x9a: {  	s5 =	simm.s32 $_scs_section_size  }
0x9b: {  	s6 =	simm.s32 $_size__tile_overlayer_lowered;
	s7 =	simm.s32 $_tile_overlayer_lowered  }
0x9c: {  	s22 =	simm.s32 $0x1BFF;
	s21 =	sshll.u32 s7, $0x1;
	s4 =	sadd.s32 s5, s19  }
0x9d: {  	s8 =	simm.s32 $0x0;
	s20 =	sshll.u32 s6, $0x1;
	s6 =	sadd.s32 s21, s4  }
0x9e: {  	[timem:s8], [sflag:s22] =	dma.local [hbm:s6], s20  }
0x9f: {  	_ =	swait.ge [sflag:s22], s20  }
0xa0: {  	s5 =	ssub.s32 $0x0, s20;
	[sflag:s22] =	ssyncset.done $0x0  }
0xa1: {  	[sflag:s22] =	ssyncadd.s32 s5;
	_ =	sdelay $0x1  }
0xa2: {  	s23 =	simm.s32 $0x1B8B  }
0xa3: {  	_ =	swait.ge [sflag:s23], $0x1  }
0xa4: {  	[sflag:s23] =	ssyncset.done $0x0  }
0xa5: {  	s25 =	simm.s32 $0x1B8E;
	s24 =	sld [smem:$0x3FFE];
	[sflag:s23] =	ssyncadd.s32 $0xFFFFFFFF  }
0xa6: {  	s26 =	simm.s32 $execute0_lowered;
	[smem:$0x3FD2] =	sst s25  }
0xa7: {  	s6 =	sshll.u32 s26, $0x1;
	_ =	strace $0x80000046;
	[dreg:$0x1] =	wrdreg $0xFFFFFFFF  }
0xa8: {  	s28 =	simm.s32 $_size_execute0_lowered;
	s4 =	sadd.s32 s4, s6;
	[dreg:$0x0] =	wrdreg $0x0  }
0xa9: {  	s6 =	sshll.u32 s28, $0x1;
	[dreg:$0x2] =	wrdreg s4  }
0xaa: {  	[dreg:$0x3] =	wrdreg s6  }
0xab: {  	[dreg:$0x4] =	wrdreg $0xC0  }
0xac: {  	_ =	task [dreg:s8], $0x5FFFF  }
0xad: {  	[dreg:$0x1] =	wrdreg $0xFFFFFFFF  }
0xae: {  	[dreg:$0x0] =	wrdreg $0x60  }
0xaf: {  	[dreg:$0x2] =	wrdreg s24  }
0xb0: {  	[dreg:$0x3] =	wrdreg s2  }
0xb1: {  	[dreg:$0x4] =	wrdreg s18  }
0xb2: {  	[dreg:$0x5] =	wrdreg $0x9  }
0xb3: {  	_ =	task.clear_ibuf [dreg:s8], $0x6FFFF;
	_ =	strace $0x90000046  }
0xb4: {  	s29 =	simm.s32 $0x9;
	_ =	strace $0x80000048  }
0xb5: {  	_ =	swait.ge [sflag:s29], $0x1  }
0xb6: {  	[sflag:s29] =	ssyncadd.s32 $0xFFFFFFFF  }
0xb7: {  	_ =	strace $0x90000048  }
0xb8: {  	_ =	sfence  }
0xb9: {  	s30 =	sld [smem:$0x0];
	_ =	sdelay $0x2  }
0xba: {  	s31 =	sshll.u32 s1, $0xD;
	s1 =	sshrl.u32 s1, $0x2  }
0xbb: {  	s3 =	sand.u32 $0x4000, s31;
	s1 =	sadd.s32 s1, s30  }
0xbc: {  	s0 =	sor.u32 s3, s0;
	s1 =	sshll.u32 s1, $0x11  }
0xbd: {  	s0 =	sor.u32 s1, s0  }
0xbe: {  	s0 =	sadd.s32 $0x8F2B, s0  }
0xbf: {  	[sflag:s0] =	ssyncadd.remote.s32 $0x1  }
0xc0: {  	_ =	sfence.sel $0xFFFF  }
0xc1: {  	[dreg:$0x0] =	wrdreg $0xFFFFFFFF;
	(pc) =	sbr.abs _section_cstart, $3  }
0xc2: {  	[dreg:$0x1] =	wrdreg $0xFFFFFFFF  }
0xc3: {  	_ =	task.clear_ibuf [dreg:s8], $0x2FFFF;
	_ =	strace $0x9FFFFFFF  }
0xc4: {  	(tm) =	ssettm $0x7FFFFFFF  }
0xc5: {  	_ =	shalt  }
tec
execute0_lowered:
.L_overlay_start_1:
0x0: {  	(tag) =	ssettag $0x1  }
0x1: {  	s3 =	rddreg [dreg:$0x0]  }
0x2: {  	s5 =	rddreg [dreg:$0x1]  }
0x3: {  	s8 =	rddreg [dreg:$0x2]  }
0x4: {  	s0 =	rddreg [dreg:$0x3]  }
0x5: {  	s2 =	simm.s32 $0x0;
	s4 =	srdreg.scid;
	s1 =	stileid.u32  }
0x6: {  	s12 =	simm.s32 $0x2;
	s13 =	simm.s32 $0x4400;
	s14 =	simm.s32 $0x1  }
0x7: {  	s15 =	simm.s32 $0x4480;
	s16 =	simm.s32 $0x4500;
	s17 =	simm.s32 $0x0  }
0x8: {  	[smem:$0x7FF] =	sst s2;
	s4 =	sand.u32 $0x1, s4;
	s6 =	sshll.u32 s1, $0x1  }
0x9: {  	_ =	strace $0x80000047;
	s6 =	sor.u32 s4, s6;
	s4 =	ssub.s32 $0x2, s4  }
0xa: {  	s7 =	sshll.u32 s6, $0xA;
	s9 =	sshll.u32 s6, $0x4;
	s30 =	sshrl.u32 s4, $0x1  }
.Ltmp0:
0xb: {  	s11 =	sshll.u32 s6, $0x7;
	s31 =	sshll.u32 s6, $0x1;
	(pc) =	sbr.rel .LBB2_1-.Ltmp0, $4  }
0xc: {  	s7 =	sadd.s32 s7, s3;
	s9 =	sadd.s32 s9, s3;
	s10 =	ssub.s32 s4, s30  }
0xd: {  	s5 =	sadd.s32 s5, s11;
	s8 =	sadd.s32 s8, s31;
	s11 =	simm.s32 $0x4000  }
0xe: {  	v0 =	vimm.f32 $0.0e+00;
	v1 =	vimm.f32 $1.000000000e+00;
	s3 =	sadd.s32 $0x1800, s7;
	s4 =	sadd.s32 $0x9800, s7;
	s6 =	sadd.s32 $0x11800, s9  }
0xf: {  	v2 =	vimm.f32 $-Inf;
	v3 =	vlaneseq.u32;
	vm0 =	vcmask $0x3F3C;
	s7 =	sadd.s32 $0x11A00, s9;
	s9 =	smax.u32 s10, $0x1;
	s10 =	simm.s32 $0x2000  }
.LBB2_12:
0x10: {  	[hbm4b:s6+s2] =	stream.linear.scatter [tilespmem:s15], [sflag:$0x1], $0x80, $0x38;
	[tilespmem:$0x4580] =	vst v63  }
0x11: {  	_ = 	snop  }
0x12: {  	[hbm4b:s7+s2] =	stream.linear.scatter [tilespmem:s16], [sflag:$0x1], $0x80, $0x38;
	[tilespmem:$0x4580] =	vst v63  }
0x13: {  	_ = 	snop  }
0x14: {  	[hbm4b:s8+s2] =	stream.linear.scatter [tilespmem:s13], [sflag:$0x1], $0x10, $0x38;
	[tilespmem:$0x4580] =	vst v63  }
0x15: {  	_ =	swait.ge [sflag:s14], $0x80  }
0x16: {  	[sflag:s14] =	ssyncset.done $0x0  }
0x17: {  	s17 =	sadd.s32 $0x1, s17;
	[sflag:s14] =	ssyncadd.s32 $0xFFFFFF80  }
0x18: {  	p0 =	sne.s32 s17, s9;
	_ =	swait.ge [sflag:s14], $0x80  }
.Ltmp1:
0x19: {  	[sflag:s14] =	ssyncset.done $0x0;
	(pc) =	sbr.rel @!p0 .LBB2_13-.Ltmp1, $4  }
0x1a: {  	[sflag:s14] =	ssyncadd.s32 $0xFFFFFF80  }
0x1b: {  	_ =	swait.ge [sflag:s14], $0x10  }
0x1c: {  	[sflag:s14] =	ssyncset.done $0x0  }
0x1d: {  	[sflag:s14] =	ssyncadd.s32 $0xFFFFFFF0  }
.LBB2_1:
0x1e: {  	[tilespmem:s2], [sflag:$0x1] =	stream.linear.gather [hbm4b:s3+s2], $0x2000, $0x38;
	[tilespmem:$0x4580] =	vst v63  }
0x1f: {  	_ = 	snop  }
0x20: {  	[tilespmem:s10], [sflag:$0x1] =	stream.linear.gather [hbm4b:s4+s2], $0x2000, $0x38;
	[tilespmem:$0x4580] =	vst v63  }
0x21: {  	_ = 	snop  }
0x22: {  	[tilespmem:s11], [sflag:$0x2] =	stream.linear.gather [hbm4b:s5+s2], $0x400, $0x38;
	[tilespmem:$0x4580] =	vst v63  }
0x23: {  	_ =	swait.ge [sflag:s12], $0x400  }
0x24: {  	[sflag:s12] =	ssyncset.done $0x0  }
0x25: {  	[sflag:s12] =	ssyncadd.s32 $0xFFFFFC00  }
0x26: {  	s19 =	simm.s32 $0x0;
	s18 =	simm.s32 $0x40;
	[tilespmem:$0x4400] =	vst v0  }
.LBB2_2:
0x27: {  	p0 =	sne.s32 s18, $0xFC0;
	v4 =	vld [tilespmem:s19+$0x4000];
	_ =	sdelay $0x3  }
.Ltmp2:
0x28: {  	(pc) =	sbr.rel @p0 .LBB2_2-.Ltmp2, $2  }
0x29: {  	_ =	sdelay $0x2  }
0x2a: {  	s19 =	sshra.s32 s18, $0x2;
	s18 =	sadd.s32 $0x40, s18;
	[tilespmem:v4+s13+$0x0] =	vst.idx.add.f32.msk $0xffff, v1  }
0x2b: {  	v4 =	vld [tilespmem:s19+$0x4000];
	_ =	sdelay $0x7  }
0x2c: {  	[tilespmem:v4+s13+$0x0] =	vst.idx.add.f32.msk $0xffff, v1  }
0x2d: {  	v4 =	vld [tilespmem:$0x4400];
	_ =	swait.ge [sflag:s14], $0x2000  }
0x2e: {  	[sflag:s14] =	ssyncset.done $0x0  }
0x2f: {  	[sflag:s14] =	ssyncadd.s32 $0xFFFFE000  }
0x30: {  	_ =	swait.ge [sflag:s14], $0x2000  }
0x31: {  	[sflag:s14] =	ssyncset.done $0x0  }
0x32: {  	[sflag:s14] =	ssyncadd.s32 $0xFFFFE000  }
0x33: {  	[tilespmem:$0x4480] =	vst v2  }
0x34: {  	(xrf2) =	vadd.scan.msk.f32 $0xffff, v4;
	[tilespmem:$0x4490] =	vst v2  }
0x35: {  	[tilespmem:$0x44A0] =	vst v2  }
0x36: {  	[tilespmem:$0x44B0] =	vst v2  }
0x37: {  	[tilespmem:$0x44C0] =	vst v2  }
0x38: {  	[tilespmem:$0x44D0] =	vst v2  }
0x39: {  	[tilespmem:$0x44E0] =	vst v2  }
0x3a: {  	[tilespmem:$0x44F0] =	vst v2  }
0x3b: {  	[tilespmem:$0x4500] =	vst v2  }
0x3c: {  	[tilespmem:$0x4510] =	vst v2  }
0x3d: {  	[tilespmem:$0x4520] =	vst v2  }
.Ltmp3:
0x3e: {  	[tilespmem:$0x4530] =	vst v2;
	v4, _, _ =	vpop (xrf2);
	(pc) =	sbr.rel .LBB2_4-.Ltmp3, $4  }
0x3f: {  	[tilespmem:$0x4540] =	vst v2;
	v4 =	vtrunc.f32 v4  }
0x40: {  	[tilespmem:$0x4550] =	vst v2;
	v4 =	vcvt.f32.s32 v4  }
0x41: {  	[tilespmem:$0x4560] =	vst v2  }
0x42: {  	s23 =	simm.s32 $0x0;
	s18 =	simm.s32 $0x0;
	[tilespmem:$0x4570] =	vst v2;
	v4 =	vxor.u32 $0x80000000, v4  }
.LBB2_6:
0x43: {  	v5 =	vimm.f32 $-Inf  }
0x44: {  	v17 =	vimm.f32 $-Inf;
	v13 =	vimm.f32 $-Inf;
	v12 =	vimm.f32 $-Inf  }
0x45: {  	v20 =	vimm.f32 $-Inf;
	v19 =	vimm.f32 $-Inf;
	v18 =	vimm.f32 $-Inf  }
0x46: {  	v16 =	vimm.f32 $-Inf;
	v15 =	vimm.f32 $-Inf;
	v14 =	vimm.f32 $-Inf  }
0x47: {  	v11 =	vimm.f32 $-Inf;
	v10 =	vimm.f32 $-Inf;
	v9 =	vimm.f32 $-Inf  }
0x48: {  	v8 =	vimm.f32 $-Inf;
	v7 =	vimm.f32 $-Inf;
	v6 =	vimm.f32 $-Inf  }
.LBB2_10:
0x49: {  	s20 =	sshll.u32 s18, $0x4  }
0x4a: {  	(xrf0) =	vmax.scan.msk.f32 $0xffff, v5;
	v5 =	vmov s20;
	s21 =	sor.u32 $0x1, s20  }
0x4b: {  	(xrf0) =	vmax.scan.msk.f32 $0xffff, v17;
	s28 =	sor.u32 $0x2, s20;
	v5 =	vbroadcast v5, $0x0;
	v47 =	vmov s21  }
0x4c: {  	s29 =	sor.u32 $0x3, s20;
	(xrf0) =	vmax.scan.msk.f32 $0xffff, v13;
	v48 =	vmov s28;
	v17 =	vbroadcast v47, $0x0  }
0x4d: {  	s30 =	sor.u32 $0x4, s20;
	v49 =	vmov s29;
	v13 =	vbroadcast v48, $0x0;
	(xrf0) =	vmax.scan.msk.f32 $0xffff, v12  }
0x4e: {  	s31 =	sor.u32 $0x5, s20;
	v50 =	vmov s30;
	v12 =	vbroadcast v49, $0x0;
	(xrf0) =	vmax.scan.msk.f32 $0xffff, v20  }
0x4f: {  	s22 =	sor.u32 $0x6, s20;
	v51 =	vmov s31;
	v20 =	vbroadcast v50, $0x0;
	(xrf0) =	vmax.scan.msk.f32 $0xffff, v19  }
0x50: {  	s23 =	sor.u32 $0x7, s20;
	v52 =	vmov s22;
	v19 =	vbroadcast v51, $0x0;
	v21, _, _ =	vpop (xrf0);
	(xrf0) =	vmax.scan.msk.f32 $0xffff, v18  }
0x51: {  	s24 =	sor.u32 $0x8, s20;
	v53 =	vmov s23;
	v18 =	vbroadcast v52, $0x0;
	[tilespmem:v5+s15+$0x0] =	vst.idx.msk vm0, v21;
	v5, _, _ =	vpop (xrf0);
	(xrf0) =	vmax.scan.msk.f32 $0xffff, v16  }
0x52: {  	s25 =	sor.u32 $0x9, s20;
	v54 =	vmov s24;
	v16 =	vbroadcast v53, $0x0;
	[tilespmem:v17+s15+$0x0] =	vst.idx.msk vm0, v5;
	v5, _, _ =	vpop (xrf0);
	(xrf0) =	vmax.scan.msk.f32 $0xffff, v15  }
0x53: {  	s26 =	sor.u32 $0xA, s20;
	v56 =	vmov s25;
	v55 =	vbroadcast v54, $0x0;
	[tilespmem:v13+s15+$0x0] =	vst.idx.msk vm0, v5;
	v5, _, _ =	vpop (xrf0);
	(xrf0) =	vmax.scan.msk.f32 $0xffff, v14  }
0x54: {  	v58 =	vmov s26;
	s28 =	sor.u32 $0xB, s20;
	v57 =	vbroadcast v56, $0x0;
	[tilespmem:v12+s15+$0x0] =	vst.idx.msk vm0, v5;
	v5, _, _ =	vpop (xrf0);
	(xrf0) =	vmax.scan.msk.f32 $0xffff, v11  }
0x55: {  	s29 =	sor.u32 $0xC, s20;
	v59 =	vmov s28;
	v11 =	vbroadcast v58, $0x0;
	[tilespmem:v20+s15+$0x0] =	vst.idx.msk vm0, v5;
	v5, _, _ =	vpop (xrf0);
	(xrf0) =	vmax.scan.msk.f32 $0xffff, v10  }
0x56: {  	s30 =	sor.u32 $0xD, s20;
	v60 =	vmov s29;
	v10 =	vbroadcast v59, $0x0;
	[tilespmem:v19+s15+$0x0] =	vst.idx.msk vm0, v5;
	v5, _, _ =	vpop (xrf0);
	(xrf0) =	vmax.scan.msk.f32 $0xffff, v9  }
0x57: {  	s20 =	sor.u32 $0xE, s20;
	v61 =	vmov s30;
	v9 =	vbroadcast v60, $0x0;
	[tilespmem:v18+s15+$0x0] =	vst.idx.msk vm0, v5;
	v5, _, _ =	vpop (xrf0);
	(xrf0) =	vmax.scan.msk.f32 $0xffff, v8  }
0x58: {  	v8 =	vbroadcast v61, $0x0;
	[tilespmem:v16+s15+$0x0] =	vst.idx.msk vm0, v5;
	v5, _, _ =	vpop (xrf0);
	(xrf0) =	vmax.scan.msk.f32 $0xffff, v7;
	v7 =	vmov s20  }
0x59: {  	[tilespmem:v55+s15+$0x0] =	vst.idx.msk vm0, v5;
	v5, _, _ =	vpop (xrf0);
	v7 =	vbroadcast v7, $0x0;
	(xrf0) =	vmax.scan.msk.f32 $0xffff, v6  }
0x5a: {  	s31 =	sshllo.u32 s18, $0x4;
	v6, _, _ =	vpop (xrf0);
	[tilespmem:v57+s15+$0x0] =	vst.idx.msk vm0, v5  }
0x5b: {  	v5, _, _ =	vpop (xrf0);
	[tilespmem:v11+s15+$0x0] =	vst.idx.msk vm0, v6;
	v6 =	vmov s31  }
0x5c: {  	v62, _, _ =	vpop (xrf0);
	[tilespmem:v10+s15+$0x0] =	vst.idx.msk vm0, v5  }
0x5d: {  	v5, _, _ =	vpop (xrf0);
	[tilespmem:v9+s15+$0x0] =	vst.idx.msk vm0, v62  }
0x5e: {  	v63, _, _ =	vpop (xrf0);
	[tilespmem:v8+s15+$0x0] =	vst.idx.msk vm0, v5  }
0x5f: {  	[tilespmem:v7+s15+$0x0] =	vst.idx.msk vm0, v63;
	v5, _, _ =	vpop (xrf0)  }
0x60: {  	[tilespmem:v6+s15+$0x0] =	vst.idx.msk vm0, v5  }
.LBB2_11:
0x61: {  	s18 =	sadd.s32 $0x1, s18  }
0x62: {  	p0 =	sne.s32 s18, $0x10  }
.Ltmp4:
0x63: {  	_ = 	snop;
	(pc) =	sbr.rel @!p0 .LBB2_12-.Ltmp4, $2  }
0x64: {  	_ =	sdelay $0x2  }
0x65: {  	s23 =	smov.u32 s19  }
.LBB2_4:
0x66: {  	v5 =	vmov s18  }
0x67: {  	vm1 =	veq.s32 v5, v3  }
0x68: {  	v5 =	vnsel vm1, $0x80000000, v4  }
0x69: {  	(xrf0) =	vmax.scan.msk.u32 $0xffff, v5;
	_ =	sdelay $0x5  }
0x6a: {  	v5, _, _ =	vpop (xrf0)  }
0x6b: {  	(v2sf) =	vpush v5, $0xF;
	_ =	sdelay $0xe  }
0x6c: {  	s20 =	spop (v2sf)  }
0x6d: {  	s19 =	sxor.u32 $0x80000000, s20  }
0x6e: {  	p0 =	sle.s32 s19, s23  }
.Ltmp5:
0x6f: {  	_ = 	snop;
	(pc) =	sbr.rel @p0 .LBB2_11-.Ltmp5, $1  }
0x70: {  	_ =	sdelay $0x3  }
0x71: {  	s21 =	sshra.s32 s23, $0x1F;
	s22 =	sand.u32 $0xF, s23  }
0x72: {  	p0 =	slt.s32 s23, $0x1;
	s25 =	sadd.s32 $0x8000000F, s20;
	s24 =	simm.s32 $0x1  }
0x73: {  	s21 =	sshrl.u32 s21, $0x1C;
	p1 =	sne.s32 s22, $0x0;
	s28 =	sand.u32 $0xF, s25  }
0x74: {  	s29 =	sshra.s32 s25, $0x1F;
	p4 =	slt.s32 s25, $0x1;
	s22 =	simm.s32 $0x1  }
0x75: {  	s21 =	sadd.s32 s21, s23;
	p0 =	por !p0, !p1;
	p3 =	sne.s32 s28, $0x0  }
0x76: {  	s26 =	sshra.s32 s21, $0x4;
	p0 =	por !p0, !p0;
	s21 =	sshrl.u32 s29, $0x1C  }
0x77: {  	s24 =	simm.s32 @!p0 $0x0;
	s21 =	sadd.s32 s21, s25;
	p0 =	por !p4, !p3  }
0x78: {  	s20 =	ssub.s32 s26, s24;
	s21 =	sshra.s32 s21, $0x4;
	p0 =	por !p0, !p0  }
0x79: {  	s21 =	ssub.s32 s21, s20;
	s22 =	simm.s32 @!p0 $0x0  }
0x7a: {  	s21 =	ssub.s32 s21, s22  }
0x7b: {  	s22 =	sadd.s32 $0x1, s21  }
0x7c: {  	s30 =	sand.u32 $0x1, s22  }
0x7d: {  	p5 =	slt.s32 s21, $0x0;
	p6 =	seq.s32 s30, $0x1  }
0x7e: {  	s31 =	sshrl.u32 s22, $0x1F;
	p0 =	por !p5, !p6  }
0x7f: {  	s21 =	sadd.s32 s31, s22;
	s22 =	simm.s32 $0x1;
	p0 =	por !p0, !p0  }
0x80: {  	s21 =	sshra.s32 s21, $0x1;
	s22 =	simm.s32 @!p0 $0x0  }
0x81: {  	s24 =	ssub.s32 s21, s22  }
0x82: {  	p0 =	slt.s32 s24, $0x1  }
.Ltmp6:
0x83: {  	_ = 	snop;
	(pc) =	sbr.rel @p0 .LBB2_6-.Ltmp6, $1  }
0x84: {  	_ =	sdelay $0x3  }
0x85: {  	s21 =	sshra.s32 s20, $0x1F  }
0x86: {  	s21 =	sshrl.u32 s21, $0x1D  }
0x87: {  	s21 =	sadd.s32 s21, s20  }
0x88: {  	s22 =	sand.u32 $0xFFFFFFF8, s21  }
0x89: {  	p0 =	slt.s32 s20, $0x1;
	p1 =	sne.s32 s20, s22  }
0x8a: {  	p0 =	por !p0, !p1  }
0x8b: {  	s22 =	simm.s32 $0x1;
	p0 =	por !p0, !p0  }
0x8c: {  	s21 =	sshrl.u32 s21, $0x3;
	s22 =	simm.s32 @!p0 $0x0  }
0x8d: {  	s25 =	sshll.u32 s20, $0x4;
	s21 =	ssub.s32 s21, s22  }
0x8e: {  	s31 =	sadd.s32 $0x80, s25;
	s21 =	sshll.u32 s21, $0xC  }
0x8f: {  	s26 =	sadd.s32 $0x1, s20;
	s22 =	sand.u32 $0x70, s31;
	s21 =	sshra.s32 s21, $0x2  }
0x90: {  	s28 =	sshra.s32 s26, $0x1F;
	s21 =	sor.u32 s22, s21  }
0x91: {  	s30 =	simm.s32 $0x1;
	s29 =	sshrl.u32 s28, $0x1D;
	p0 =	slt.u32 s20, $0x7FFFFFFF;
	v5 =	vld [tilespmem:s21+$0x0]  }
0x92: {  	s29 =	sadd.s32 s29, s26;
	s30 =	simm.s32 @!p0 $0x0;
	v31 =	vld [tilespmem:s21+$0x80]  }
0x93: {  	s31 =	sand.u32 $0xFFFFFFF8, s29;
	s28 =	sadd.s32 s30, s28;
	v33 =	vld [tilespmem:s21+$0x100]  }
0x94: {  	p6 =	sne.s32 s26, s31;
	p5 =	sne.s32 s28, $0x1;
	v34 =	vld [tilespmem:s21+$0x180]  }
0x95: {  	p0 =	por !p6, !p5;
	v28 =	vld [tilespmem:s21+$0x200]  }
0x96: {  	s22 =	simm.s32 $0x1;
	p0 =	por !p0, !p0;
	v30 =	vld [tilespmem:s21+$0x280]  }
0x97: {  	s29 =	sshrl.u32 s29, $0x3;
	v32 =	vld [tilespmem:s21+$0x300];
	s22 =	simm.s32 @!p0 $0x0  }
0x98: {  	v25 =	vld [tilespmem:s21+$0x380];
	s22 =	ssub.s32 s29, s22  }
0x99: {  	v12 =	vmov s23;
	v13 =	vmov s19;
	s30 =	sadd.s32 $0x90, s25;
	v26 =	vld [tilespmem:s21+$0x2000];
	s22 =	sshll.u32 s22, $0xC  }
0x9a: {  	v17 =	vimm.f32 $-Inf;
	v21 =	vimm.f32 $-Inf;
	v22 =	vimm.f32 $-Inf;
	s28 =	sand.u32 $0x70, s30;
	v27 =	vld [tilespmem:s21+$0x2080];
	s22 =	sshra.s32 s22, $0x2  }
0x9b: {  	v18 =	vimm.f32 $-Inf;
	v19 =	vimm.f32 $-Inf;
	v20 =	vimm.f32 $-Inf;
	v23 =	vld [tilespmem:s21+$0x2100];
	s22 =	sor.u32 s28, s22  }
0x9c: {  	v14 =	vimm.f32 $-Inf;
	v15 =	vimm.f32 $-Inf;
	v16 =	vimm.f32 $-Inf;
	v6 =	vld [tilespmem:s22+$0x0]  }
0x9d: {  	v9 =	vimm.f32 $-Inf;
	v10 =	vimm.f32 $-Inf;
	v7 =	vor.u32 s25, v3;
	v24 =	vld [tilespmem:s21+$0x2180];
	p0 =	sne.s32 s24, $0x1  }
.Ltmp7:
0x9e: {  	v11 =	vimm.f32 $-Inf;
	vm1 =	vge.s32 v7, v12;
	vm2 =	vlt.s32 v7, v13;
	s31 =	sshll.u32 s26, $0x4;
	v36 =	vld [tilespmem:s22+$0x80];
	(pc) =	sbr.rel @!p0 .LBB2_9-.Ltmp7, $4  }
0x9f: {  	vm1 =	vmand vm1, vm2;
	v7 =	vor.u32 s31, v3;
	v5 =	vmax.f32 v17, v5;
	v37 =	vld [tilespmem:s22+$0x100]  }
0xa0: {  	vm2 =	vge.s32 v7, v12;
	vm3 =	vlt.s32 v7, v13;
	v5 =	vsel vm1, v5, v17;
	v38 =	vld [tilespmem:s22+$0x180]  }
0xa1: {  	v8 =	vimm.f32 $-Inf;
	vm2 =	vmand vm2, vm3;
	v29 =	vld [tilespmem:s21+$0x2200];
	v6 =	vmax.f32 v5, v6  }
0xa2: {  	s23 =	sadd.s32 $0xFFFFFFFF, s24;
	v7 =	vimm.f32 $-Inf;
	v35 =	vld [tilespmem:s22+$0x200];
	v5 =	vsel vm2, v6, v5;
	v6 =	vimm.f32 $-Inf  }
.LBB2_8:
0xa3: {  	p0 =	sne.s32 s23, $0x1;
	v31 =	vmax.f32 v17, v31;
	v33 =	vmax.f32 v21, v33;
	v34 =	vmax.f32 v22, v34;
	v39 =	vld [tilespmem:s22+$0x280]  }
0xa4: {  	s20 =	sadd.s32 $0x2, s20;
	v17 =	vsel vm1, v31, v17;
	v21 =	vsel vm1, v33, v21;
	v22 =	vsel vm1, v34, v22;
	v31 =	vld [tilespmem:s22+$0x300]  }
0xa5: {  	s24 =	sshra.s32 s20, $0x1F;
	v34 =	vld [tilespmem:s21+$0x2280];
	v33 =	vmax.f32 v17, v36;
	v36 =	vmax.f32 v21, v37;
	v37 =	vmax.f32 v22, v38  }
0xa6: {  	s24 =	sshrl.u32 s24, $0x1D;
	v17 =	vsel vm2, v33, v17;
	v21 =	vsel vm2, v36, v21;
	v22 =	vsel vm2, v37, v22;
	v33 =	vld [tilespmem:s22+$0x380]  }
0xa7: {  	v28 =	vmax.f32 v18, v28;
	v30 =	vmax.f32 v19, v30;
	v32 =	vmax.f32 v20, v32;
	s24 =	sadd.s32 s24, s20;
	v36 =	vld [tilespmem:s22+$0x2000]  }
0xa8: {  	v18 =	vsel vm1, v28, v18;
	v19 =	vsel vm1, v30, v19;
	v20 =	vsel vm1, v32, v20;
	s25 =	sand.u32 $0xFFFFFFF8, s24;
	v28 =	vld [tilespmem:s22+$0x2080]  }
0xa9: {  	p1 =	slt.s32 s20, $0x1;
	v32 =	vmax.f32 v18, v35;
	p2 =	sne.s32 s20, s25;
	v35 =	vmax.f32 v19, v39;
	v30 =	vld [tilespmem:s21+$0x2300];
	v31 =	vmax.f32 v20, v31  }
0xaa: {  	v18 =	vsel vm2, v32, v18;
	p1 =	por !p1, !p2;
	v19 =	vsel vm2, v35, v19;
	v20 =	vsel vm2, v31, v20;
	v31 =	vld [tilespmem:s22+$0x2100]  }
0xab: {  	v25 =	vmax.f32 v14, v25;
	v26 =	vmax.f32 v15, v26;
	v27 =	vmax.f32 v16, v27;
	s26 =	simm.s32 $0x1;
	p1 =	por !p1, !p1;
	v32 =	vld [tilespmem:s22+$0x2180]  }
0xac: {  	v14 =	vsel vm1, v25, v14;
	v15 =	vsel vm1, v26, v15;
	v16 =	vsel vm1, v27, v16;
	s25 =	sshrl.u32 s24, $0x3;
	s26 =	simm.s32 @!p1 $0x0;
	v25 =	vld [tilespmem:s22+$0x2200]  }
0xad: {  	s24 =	sshll.u32 s20, $0x4;
	v27 =	vmax.f32 v14, v33;
	s25 =	ssub.s32 s25, s26;
	v33 =	vmax.f32 v15, v36;
	v26 =	vld [tilespmem:s21+$0x2380];
	v28 =	vmax.f32 v16, v28  }
0xae: {  	v14 =	vsel vm2, v27, v14;
	s21 =	sadd.s32 $0x80, s24;
	s25 =	sshll.u32 s25, $0xC;
	v15 =	vsel vm2, v33, v15;
	v16 =	vsel vm2, v28, v16;
	v27 =	vld [tilespmem:s22+$0x2280]  }
0xaf: {  	v23 =	vmax.f32 v9, v23;
	v24 =	vmax.f32 v10, v24;
	s21 =	sand.u32 $0x70, s21;
	s26 =	sshra.s32 s25, $0x2;
	s25 =	sadd.s32 $0x1, s20;
	v28 =	vmax.f32 v11, v29;
	v29 =	vld [tilespmem:s22+$0x2300]  }
0xb0: {  	v9 =	vsel vm1, v23, v9;
	v10 =	vsel vm1, v24, v10;
	s21 =	sor.u32 s21, s26;
	s26 =	sshra.s32 s25, $0x1F;
	v11 =	vsel vm1, v28, v11;
	v23 =	vld [tilespmem:s22+$0x2380]  }
0xb1: {  	s28 =	simm.s32 $0x1;
	p1 =	slt.u32 s20, $0x7FFFFFFF;
	v24 =	vmax.f32 v9, v31;
	s22 =	sshrl.u32 s26, $0x1D;
	v28 =	vmax.f32 v10, v32;
	v35 =	vld [tilespmem:s21+$0x0];
	v25 =	vmax.f32 v11, v25  }
0xb2: {  	s28 =	simm.s32 @!p1 $0x0;
	v9 =	vsel vm2, v24, v9;
	s22 =	sadd.s32 s22, s25;
	v10 =	vsel vm2, v28, v10;
	v31 =	vld [tilespmem:s21+$0x80];
	v11 =	vsel vm2, v25, v11  }
0xb3: {  	s26 =	sadd.s32 s28, s26;
	v24 =	vmax.f32 v6, v34;
	s28 =	sand.u32 $0xFFFFFFF8, s22;
	v25 =	vmax.f32 v7, v30;
	v26 =	vmax.f32 v8, v26;
	v33 =	vld [tilespmem:s21+$0x100]  }
0xb4: {  	p1 =	sne.s32 s26, $0x1;
	v6 =	vsel vm1, v24, v6;
	p2 =	sne.s32 s25, s28;
	v7 =	vsel vm1, v25, v7;
	v8 =	vsel vm1, v26, v8;
	v34 =	vld [tilespmem:s21+$0x180]  }
0xb5: {  	v24 =	vmax.f32 v6, v27;
	p1 =	por !p2, !p1;
	v25 =	vmax.f32 v7, v29;
	v28 =	vld [tilespmem:s21+$0x200];
	v23 =	vmax.f32 v8, v23  }
0xb6: {  	s26 =	simm.s32 $0x1;
	v6 =	vsel vm2, v24, v6;
	p1 =	por !p1, !p1;
	v7 =	vsel vm2, v25, v7;
	v30 =	vld [tilespmem:s21+$0x280];
	v8 =	vsel vm2, v23, v8  }
0xb7: {  	s22 =	sshrl.u32 s22, $0x3;
	s26 =	simm.s32 @!p1 $0x0;
	v32 =	vld [tilespmem:s21+$0x300]  }
0xb8: {  	s22 =	ssub.s32 s22, s26;
	v25 =	vld [tilespmem:s21+$0x380]  }
0xb9: {  	s26 =	sadd.s32 $0x90, s24;
	s22 =	sshll.u32 s22, $0xC;
	v26 =	vld [tilespmem:s21+$0x2000]  }
0xba: {  	s26 =	sand.u32 $0x70, s26;
	s22 =	sshra.s32 s22, $0x2;
	v27 =	vld [tilespmem:s21+$0x2080]  }
0xbb: {  	s22 =	sor.u32 s26, s22;
	v23 =	vld [tilespmem:s21+$0x2100]  }
0xbc: {  	v39 =	vld [tilespmem:s22+$0x0]  }
0xbd: {  	v29 =	vor.u32 s24, v3;
	v24 =	vld [tilespmem:s21+$0x2180]  }
.Ltmp8:
0xbe: {  	vm1 =	vge.s32 v29, v12;
	vm2 =	vlt.s32 v29, v13;
	s24 =	sshll.u32 s25, $0x4;
	v36 =	vld [tilespmem:s22+$0x80];
	(pc) =	sbr.rel @p0 .LBB2_8-.Ltmp8, $4  }
0xbf: {  	v29 =	vmax.f32 v5, v35;
	vm1 =	vmand vm1, vm2;
	v35 =	vor.u32 s24, v3;
	v37 =	vld [tilespmem:s22+$0x100]  }
0xc0: {  	v5 =	vsel vm1, v29, v5;
	vm2 =	vge.s32 v35, v12;
	vm3 =	vlt.s32 v35, v13;
	v38 =	vld [tilespmem:s22+$0x180]  }
0xc1: {  	vm2 =	vmand vm2, vm3;
	v29 =	vld [tilespmem:s21+$0x2200];
	v35 =	vmax.f32 v5, v39  }
0xc2: {  	s23 =	sadd.s32 $0xFFFFFFFF, s23;
	v5 =	vsel vm2, v35, v5;
	v35 =	vld [tilespmem:s22+$0x200]  }
.LBB2_9:
0xc3: {  	v12 =	vmax.f32 v17, v31;
	v13 =	vmax.f32 v21, v33;
	v47 =	vmax.f32 v22, v34;
	v48 =	vld [tilespmem:s22+$0x280]  }
0xc4: {  	v49 =	vld [tilespmem:s21+$0x2280];
	v28 =	vmax.f32 v18, v28;
	v30 =	vmax.f32 v19, v30;
	v32 =	vmax.f32 v20, v32  }
0xc5: {  	v52 =	vld [tilespmem:s22+$0x2000];
	v25 =	vmax.f32 v14, v25;
	v26 =	vmax.f32 v15, v26;
	v27 =	vmax.f32 v16, v27  }
0xc6: {  	v23 =	vmax.f32 v9, v23;
	v13 =	vsel vm1, v13, v21;
	v21 =	vsel vm1, v47, v22;
	v22 =	vld [tilespmem:s22+$0x300]  }
0xc7: {  	v54 =	vld [tilespmem:s22+$0x2080];
	v24 =	vmax.f32 v10, v24;
	v12 =	vsel vm1, v12, v17;
	v18 =	vsel vm1, v28, v18  }
0xc8: {  	v56 =	vld [tilespmem:s22+$0x2180];
	v19 =	vsel vm1, v30, v19;
	v53 =	vsel vm1, v32, v20;
	v14 =	vsel vm1, v25, v14  }
0xc9: {  	v58 =	vld [tilespmem:s22+$0x2200];
	v15 =	vsel vm1, v26, v15;
	v17 =	vmax.f32 v12, v36;
	v51 =	vmax.f32 v21, v38  }
0xca: {  	v57 =	vsel vm1, v27, v16;
	v17 =	vsel vm2, v17, v12;
	v12 =	vsel vm2, v51, v21;
	v21 =	vld [tilespmem:s22+$0x380]  }
0xcb: {  	v59 =	vld [tilespmem:s21+$0x2380];
	v9 =	vsel vm1, v23, v9;
	v20 =	vmax.f32 v18, v35;
	v22 =	vmax.f32 v53, v22  }
0xcc: {  	v50 =	vmax.f32 v13, v37;
	v20 =	vsel vm2, v20, v18;
	v18 =	vsel vm2, v22, v53;
	v22 =	vld [tilespmem:s22+$0x2100]  }
0xcd: {  	v55 =	vld [tilespmem:s21+$0x2300];
	v10 =	vsel vm1, v24, v10;
	v13 =	vsel vm2, v50, v13;
	v60 =	vmax.f32 v11, v29  }
0xce: {  	v61 =	vld [tilespmem:s22+$0x2300];
	v23 =	vsel vm1, v60, v11;
	v33 =	vmax.f32 v19, v48;
	v30 =	vmax.f32 v57, v54  }
0xcf: {  	v62 =	vld [tilespmem:s22+$0x2380];
	v25 =	vmax.f32 v23, v58;
	v16 =	vmax.f32 v14, v21;
	v21 =	vmax.f32 v15, v52  }
0xd0: {  	v63 =	vmax.f32 v8, v59;
	v19 =	vsel vm2, v33, v19;
	v15 =	vsel vm2, v21, v15;
	v21 =	vld [tilespmem:s22+$0x2280]  }
0xd1: {  	v16 =	vsel vm2, v16, v14;
	v11 =	vmax.f32 v9, v22;
	v22 =	vmax.f32 v10, v56  }
.Ltmp9:
0xd2: {  	v14 =	vsel vm2, v30, v57;
	v11 =	vsel vm2, v11, v9;
	v10 =	vsel vm2, v22, v10;
	(pc) =	sbr.rel .LBB2_10-.Ltmp9, $4  }
0xd3: {  	v9 =	vsel vm2, v25, v23;
	v22 =	vmax.f32 v6, v49;
	v23 =	vmax.f32 v7, v55  }
0xd4: {  	v6 =	vsel vm1, v22, v6;
	v7 =	vsel vm1, v23, v7;
	v22 =	vsel vm1, v63, v8  }
0xd5: {  	v8 =	vmax.f32 v6, v21;
	v21 =	vmax.f32 v7, v61;
	v23 =	vmax.f32 v22, v62  }
0xd6: {  	v8 =	vsel vm2, v8, v6;
	v7 =	vsel vm2, v21, v7;
	v6 =	vsel vm2, v23, v22  }
.LBB2_13:
0xd7: {  	_ =	sfence.sel $0x180000  }
0xd8: {  	[bflag:$0x0] =	sbarrier.arrive $0xFFFF  }
0xd9: {  	p0 =	sne.s32 s1, $0x0;
	_ =	strace $0x90000047  }
0xda: {  	s0 =	sadd.s32 @!p0 $0x100000, s0;
	[bflag:$0x2] =	sbarrier.arrive $0xFFFF  }
0xdb: {  	[sflag:s0] =	ssyncadd.tile.s32 @!p0 $0x1;
	_ =	shalt  }
.Lfunc_end2:
_tile_overlayer_lowered:
.L_overlay_start_2:
0xdc: {  	(tag) =	ssettag $0x2  }
0xdd: {  	s0 =	rddreg [dreg:$0x0];
	s2 =	stileid.u32  }
0xde: {  	s1 =	rddreg [dreg:$0x1];
	p0 =	sne.s32 s2, $0x0  }
0xdf: {  	s3 =	rddreg [dreg:$0x2];
	[bflag:$0x3] =	sbarrier.arrive $0xFFFF;
	s2 =	simm.s32 @!p0 $0x1C02  }
0xe0: {  	[timem:s3], [sflag:s2] =	dma.local @!p0 [hbm:s0], s1  }
0xe1: {  	s0 =	simm.s32 @!p0 $0x2  }
0xe2: {  	_ =	swait.ge @!p0 [sflag:s0], s1  }
0xe3: {  	s1 =	ssub.s32 @!p0 $0x0, s1;
	[sflag:s0] =	ssyncset.done @!p0 $0x0  }
0xe4: {  	[sflag:s0] =	ssyncadd.s32 @!p0 s1  }
0xe5: {  	[bflag:$0x3] =	sbarrier.arrive $0xFFFF  }
0xe6: {  	_ =	shalt  }

</sc_bundles>
